<compile_context>
chip_gen: v7x
topology: tpu7x:2x2x1
jax: 0.10.2.dev20260603
libtpu: 0.0.44.dev20260713+nightly
codegen_flags: <defaults>
</compile_context>

<pallas_src>
import jax
import jax.numpy as jnp
from jax import lax
from jax.experimental import pallas as pl
from jax.experimental.pallas import tpu as pltpu
from jax.experimental.pallas import tpu_sc as plsc

N = 16384
K = 16
L = 16
NS = 16
PER_TILE = N // NS
STEPS = PER_TILE // L
NCHAINS = 4
PART = 2 * L


def _merge_top(acc, new):
    asc, _ = plsc.sort_key_val(acc, acc)
    dsc, _ = plsc.sort_key_val(new, new, descending=True)
    return jnp.maximum(asc, dsc)


def _sc_body(x_hbm, t_hbm, out_hbm, xv, tv, stage, shared, parts_all, outv,
             sem_x, sem_t):
    s = lax.axis_index("s")

    base = s * PER_TILE
    cp_x = pltpu.async_copy(x_hbm.at[pl.ds(base, PER_TILE)], xv, sem_x)
    cp_t = pltpu.async_copy(t_hbm.at[pl.ds(base, PER_TILE)], tv, sem_t)
    cp_x.wait()
    cp_t.wait()

    neg_inf = jnp.full((L,), -jnp.inf, jnp.float32)
    sums = [jnp.zeros((L,), jnp.float32) for _ in range(NCHAINS)]
    tops = [neg_inf for _ in range(NCHAINS)]
    for i in range(STEPS):
        ch = i % NCHAINS
        d = xv[pl.ds(i * L, L)] - tv[pl.ds(i * L, L)]
        loss = d * d
        sums[ch] = sums[ch] + loss
        tops[ch] = _merge_top(tops[ch], loss)
    sumv = (sums[0] + sums[1]) + (sums[2] + sums[3])
    top = _merge_top(_merge_top(tops[0], tops[1]),
                     _merge_top(tops[2], tops[3]))

    stage[pl.ds(0, L)] = top
    stage[pl.ds(L, L)] = sumv
    pltpu.sync_copy(stage, shared.at[pl.ds(s * PART, PART)])
    plsc.subcore_barrier()

    @pl.when(s == 0)
    def _():
        pltpu.sync_copy(shared, parts_all)
        parts = [parts_all[pl.ds(r * PART, L)] for r in range(NS)]
        while len(parts) > 1:
            parts = [_merge_top(parts[i], parts[i + 1])
                     for i in range(0, len(parts), 2)]
        gtop = parts[0]
        tot = parts_all[pl.ds(L, L)]
        for r in range(1, NS):
            tot = tot + parts_all[pl.ds(r * PART + L, L)]
        total = jnp.sum(tot)
        top_sum = jnp.sum(gtop)
        res = (total - top_sum) * jnp.float32(1.0 / (N - K))
        outv[...] = jnp.full((L,), res)
        pltpu.sync_copy(outv, out_hbm)


@jax.jit
def _ousm_sc(x, t):
    mesh = plsc.VectorSubcoreMesh(core_axis_name="c", subcore_axis_name="s",
                                  num_cores=1)
    f = pl.kernel(
        _sc_body,
        out_type=jax.ShapeDtypeStruct((L,), jnp.float32),
        mesh=mesh,
        compiler_params=pltpu.CompilerParams(needs_layout_passes=False),
        scratch_types=[
            pltpu.VMEM((PER_TILE,), jnp.float32),
            pltpu.VMEM((PER_TILE,), jnp.float32),
            pltpu.VMEM((PART,), jnp.float32),
            pltpu.VMEM_SHARED((NS * PART,), jnp.float32),
            pltpu.VMEM((NS * PART,), jnp.float32),
            pltpu.VMEM((L,), jnp.float32),
            pltpu.SemaphoreType.DMA,
            pltpu.SemaphoreType.DMA,
        ],
    )
    return f(x, t)


def kernel(logits, targets):
    x = logits.reshape(N)
    out = _ousm_sc(x, targets)
    return out[0]

# --- scband reference (transcript-rebuilt; emitter-appended) ---
"""Pipeline reference for scband-ousmloss-180388627364 (READ-ONLY COPY).

The authoritative reference and input builder live on the scoring server;
editing this copy changes nothing except your own understanding.
"""

import jax, jax.numpy as jnp
import numpy as np

K = 16

def setup_inputs(seed: int = 0) -> dict:
    key = jax.random.key(seed)
    k1, k2 = jax.random.split(key)
    logits = jax.random.normal(k1, (16384, 1), dtype=jnp.float32)
    targets = jax.random.normal(k2, (16384,), dtype=jnp.float32)
    return {"logits": logits, "targets": targets}

def reference(logits, targets):
    # _check_input_type for MSELoss with last dim == 1: squeeze logits, float targets
    x = jnp.squeeze(logits)
    bs = x.shape[0]
    # ousm=True and bs - k > 0: per-sample MSE losses (reduction='none')
    losses = (x - targets) ** 2
    # keep the (bs - k) smallest losses (torch topk largest=False)
    _, idxs = jax.lax.top_k(-losses, bs - K)
    kept = jnp.take(losses, idxs, axis=0)
    return kept.mean()

if __name__ == "__main__":
    import jax
    _d = setup_inputs()
    print(jax.jit(kernel)(*tuple(_d.values())))

</pallas_src>

<mosaic_0001>
#map = affine_map<(d0, d1) -> (0)>
module attributes {stable_mosaic.version = 14 : i64} {
  func.func @_sc_body(%arg0: i32, %arg1: i32, %arg2: memref<16384xf32, #tpu.memory_space<hbm>>, %arg3: memref<16384xf32, #tpu.memory_space<hbm>>, %arg4: memref<16xf32, #tpu.memory_space<hbm>>, %arg5: memref<1024xf32, #tpu.memory_space<vmem>>, %arg6: memref<1024xf32, #tpu.memory_space<vmem>>, %arg7: memref<32xf32, #tpu.memory_space<vmem>>, %arg8: memref<512xf32, #tpu.memory_space<vmem_shared>>, %arg9: memref<512xf32, #tpu.memory_space<vmem>>, %arg10: memref<16xf32, #tpu.memory_space<vmem>>, %arg11: memref<!tpu.dma_semaphore, #tpu.memory_space<semaphore_mem>>, %arg12: memref<!tpu.dma_semaphore, #tpu.memory_space<semaphore_mem>>) attributes {dimension_semantics = [#tpu.dimension_semantics<core_parallel>, #tpu.dimension_semantics<subcore_parallel>], iteration_bounds = array<i64: 1, 16>, scalar_prefetch = 0 : i64, scratch_operands = 8 : i64, tpu.core_type = #tpu.core_type<sc_vector_subcore>, window_params = [{transform_indices = #map}, {transform_indices = #map}, {transform_indices = #map}]} {
    %mul3A = arith.constant 1024 : i32
    %mul3A_0 = arith.muli %arg1, %mul3A : i32
    %dma_start3A = tpu.memref_slice %arg2[%mul3A_0] : memref<16384xf32, #tpu.memory_space<hbm>> -> memref<1024xf32, #tpu.memory_space<hbm>>
    %dma_start3A_1 = tpu.memref_slice %arg2[%mul3A_0] : memref<16384xf32, #tpu.memory_space<hbm>> -> memref<1024xf32, #tpu.memory_space<hbm>>
    tpu.enqueue_dma source(%dma_start3A_1 : memref<1024xf32, #tpu.memory_space<hbm>>) target(%arg5 : memref<1024xf32, #tpu.memory_space<vmem>>) target_semaphore(%arg11 : memref<!tpu.dma_semaphore, #tpu.memory_space<semaphore_mem>>)
    %dma_start3A_2 = tpu.memref_slice %arg3[%mul3A_0] : memref<16384xf32, #tpu.memory_space<hbm>> -> memref<1024xf32, #tpu.memory_space<hbm>>
    %dma_start3A_3 = tpu.memref_slice %arg3[%mul3A_0] : memref<16384xf32, #tpu.memory_space<hbm>> -> memref<1024xf32, #tpu.memory_space<hbm>>
    tpu.enqueue_dma source(%dma_start3A_3 : memref<1024xf32, #tpu.memory_space<hbm>>) target(%arg6 : memref<1024xf32, #tpu.memory_space<vmem>>) target_semaphore(%arg12 : memref<!tpu.dma_semaphore, #tpu.memory_space<semaphore_mem>>)
    %dma_wait3A = tpu.memref_slice %arg2[%mul3A_0] : memref<16384xf32, #tpu.memory_space<hbm>> -> memref<1024xf32, #tpu.memory_space<hbm>>
    %dma_wait3A_4 = tpu.memref_slice %arg2[%mul3A_0] : memref<16384xf32, #tpu.memory_space<hbm>> -> memref<1024xf32, #tpu.memory_space<hbm>>
    tpu.wait_dma2 semaphore(%arg11 : memref<!tpu.dma_semaphore, #tpu.memory_space<semaphore_mem>>) src(%dma_wait3A_4 : memref<1024xf32, #tpu.memory_space<hbm>>) dst(%arg5 : memref<1024xf32, #tpu.memory_space<vmem>>)
    %dma_wait3A_5 = tpu.memref_slice %arg3[%mul3A_0] : memref<16384xf32, #tpu.memory_space<hbm>> -> memref<1024xf32, #tpu.memory_space<hbm>>
    %dma_wait3A_6 = tpu.memref_slice %arg3[%mul3A_0] : memref<16384xf32, #tpu.memory_space<hbm>> -> memref<1024xf32, #tpu.memory_space<hbm>>
    tpu.wait_dma2 semaphore(%arg12 : memref<!tpu.dma_semaphore, #tpu.memory_space<semaphore_mem>>) src(%dma_wait3A_6 : memref<1024xf32, #tpu.memory_space<hbm>>) dst(%arg6 : memref<1024xf32, #tpu.memory_space<vmem>>)
    %broadcast_in_dim3A = arith.constant 0xFF800000 : f32
    %broadcast_in_dim3A_7 = vector.broadcast %broadcast_in_dim3A : f32 to vector<16xf32>
    %broadcast_in_dim3A_8 = arith.constant 0.000000e+00 : f32
    %broadcast_in_dim3A_9 = vector.broadcast %broadcast_in_dim3A_8 : f32 to vector<16xf32>
    %broadcast_in_dim3A_10 = arith.constant 0.000000e+00 : f32
    %broadcast_in_dim3A_11 = vector.broadcast %broadcast_in_dim3A_10 : f32 to vector<16xf32>
    %broadcast_in_dim3A_12 = arith.constant 0.000000e+00 : f32
    %broadcast_in_dim3A_13 = vector.broadcast %broadcast_in_dim3A_12 : f32 to vector<16xf32>
    %broadcast_in_dim3A_14 = arith.constant 0.000000e+00 : f32
    %broadcast_in_dim3A_15 = vector.broadcast %broadcast_in_dim3A_14 : f32 to vector<16xf32>
    %get3A = arith.constant 0 : index
    %get3A_16 = tpu.vector_load %arg5[%get3A] {strides = array<i32>} : memref<1024xf32, #tpu.memory_space<vmem>>, vector<16xf32>,
    %get3A_17 = arith.constant 0 : index
    %get3A_18 = tpu.vector_load %arg6[%get3A_17] {strides = array<i32>} : memref<1024xf32, #tpu.memory_space<vmem>>, vector<16xf32>,
    %sub3A = arith.subf %get3A_16, %get3A_18 : vector<16xf32>
    %mul3A_19 = arith.mulf %sub3A, %sub3A : vector<16xf32>
    %add3A = arith.addf %broadcast_in_dim3A_9, %mul3A_19 : vector<16xf32>
    %masked_sort3A = arith.constant dense<true> : vector<16xi1>
    %masked_sort3A_20, %masked_sort3A_21, %masked_sort3A_22 = tpu.sort %broadcast_in_dim3A_7, %broadcast_in_dim3A_7 masked %masked_sort3A : (vector<16xf32>, vector<16xf32>, vector<16xi1>) -> (vector<16xi1>, vector<16xf32>, vector<16xf32>)
    %masked_sort3A_23 = arith.constant dense<true> : vector<16xi1>
    %masked_sort3A_24, %masked_sort3A_25, %masked_sort3A_26 = tpu.sort %mul3A_19, %mul3A_19 masked %masked_sort3A_23 {descending = true} : (vector<16xf32>, vector<16xf32>, vector<16xi1>) -> (vector<16xi1>, vector<16xf32>, vector<16xf32>)
    %max3A = arith.maximumf %masked_sort3A_21, %masked_sort3A_25 : vector<16xf32>
    %get3A_27 = arith.constant 16 : index
    %get3A_28 = tpu.vector_load %arg5[%get3A_27] {strides = array<i32>} : memref<1024xf32, #tpu.memory_space<vmem>>, vector<16xf32>,
    %get3A_29 = arith.constant 16 : index
    %get3A_30 = tpu.vector_load %arg6[%get3A_29] {strides = array<i32>} : memref<1024xf32, #tpu.memory_space<vmem>>, vector<16xf32>,
    %sub3A_31 = arith.subf %get3A_28, %get3A_30 : vector<16xf32>
    %mul3A_32 = arith.mulf %sub3A_31, %sub3A_31 : vector<16xf32>
    %add3A_33 = arith.addf %broadcast_in_dim3A_11, %mul3A_32 : vector<16xf32>
    %masked_sort3A_34 = arith.constant dense<true> : vector<16xi1>
    %masked_sort3A_35, %masked_sort3A_36, %masked_sort3A_37 = tpu.sort %broadcast_in_dim3A_7, %broadcast_in_dim3A_7 masked %masked_sort3A_34 : (vector<16xf32>, vector<16xf32>, vector<16xi1>) -> (vector<16xi1>, vector<16xf32>, vector<16xf32>)
    %masked_sort3A_38 = arith.constant dense<true> : vector<16xi1>
    %masked_sort3A_39, %masked_sort3A_40, %masked_sort3A_41 = tpu.sort %mul3A_32, %mul3A_32 masked %masked_sort3A_38 {descending = true} : (vector<16xf32>, vector<16xf32>, vector<16xi1>) -> (vector<16xi1>, vector<16xf32>, vector<16xf32>)
    %max3A_42 = arith.maximumf %masked_sort3A_36, %masked_sort3A_40 : vector<16xf32>
    %get3A_43 = arith.constant 32 : index
    %get3A_44 = tpu.vector_load %arg5[%get3A_43] {strides = array<i32>} : memref<1024xf32, #tpu.memory_space<vmem>>, vector<16xf32>,
    %get3A_45 = arith.constant 32 : index
    %get3A_46 = tpu.vector_load %arg6[%get3A_45] {strides = array<i32>} : memref<1024xf32, #tpu.memory_space<vmem>>, vector<16xf32>,
    %sub3A_47 = arith.subf %get3A_44, %get3A_46 : vector<16xf32>
    %mul3A_48 = arith.mulf %sub3A_47, %sub3A_47 : vector<16xf32>
    %add3A_49 = arith.addf %broadcast_in_dim3A_13, %mul3A_48 : vector<16xf32>
    %masked_sort3A_50 = arith.constant dense<true> : vector<16xi1>
    %masked_sort3A_51, %masked_sort3A_52, %masked_sort3A_53 = tpu.sort %broadcast_in_dim3A_7, %broadcast_in_dim3A_7 masked %masked_sort3A_50 : (vector<16xf32>, vector<16xf32>, vector<16xi1>) -> (vector<16xi1>, vector<16xf32>, vector<16xf32>)
    %masked_sort3A_54 = arith.constant dense<true> : vector<16xi1>
    %masked_sort3A_55, %masked_sort3A_56, %masked_sort3A_57 = tpu.sort %mul3A_48, %mul3A_48 masked %masked_sort3A_54 {descending = true} : (vector<16xf32>, vector<16xf32>, vector<16xi1>) -> (vector<16xi1>, vector<16xf32>, vector<16xf32>)
    %max3A_58 = arith.maximumf %masked_sort3A_52, %masked_sort3A_56 : vector<16xf32>
    %get3A_59 = arith.constant 48 : index
    %get3A_60 = tpu.vector_load %arg5[%get3A_59] {strides = array<i32>} : memref<1024xf32, #tpu.memory_space<vmem>>, vector<16xf32>,
    %get3A_61 = arith.constant 48 : index
    %get3A_62 = tpu.vector_load %arg6[%get3A_61] {strides = array<i32>} : memref<1024xf32, #tpu.memory_space<vmem>>, vector<16xf32>,
    %sub3A_63 = arith.subf %get3A_60, %get3A_62 : vector<16xf32>
    %mul3A_64 = arith.mulf %sub3A_63, %sub3A_63 : vector<16xf32>
    %add3A_65 = arith.addf %broadcast_in_dim3A_15, %mul3A_64 : vector<16xf32>
    %masked_sort3A_66 = arith.constant dense<true> : vector<16xi1>
    %masked_sort3A_67, %masked_sort3A_68, %masked_sort3A_69 = tpu.sort %broadcast_in_dim3A_7, %broadcast_in_dim3A_7 masked %masked_sort3A_66 : (vector<16xf32>, vector<16xf32>, vector<16xi1>) -> (vector<16xi1>, vector<16xf32>, vector<16xf32>)
    %masked_sort3A_70 = arith.constant dense<true> : vector<16xi1>
    %masked_sort3A_71, %masked_sort3A_72, %masked_sort3A_73 = tpu.sort %mul3A_64, %mul3A_64 masked %masked_sort3A_70 {descending = true} : (vector<16xf32>, vector<16xf32>, vector<16xi1>) -> (vector<16xi1>, vector<16xf32>, vector<16xf32>)
    %max3A_74 = arith.maximumf %masked_sort3A_68, %masked_sort3A_72 : vector<16xf32>
    %get3A_75 = arith.constant 64 : index
    %get3A_76 = tpu.vector_load %arg5[%get3A_75] {strides = array<i32>} : memref<1024xf32, #tpu.memory_space<vmem>>, vector<16xf32>,
    %get3A_77 = arith.constant 64 : index
    %get3A_78 = tpu.vector_load %arg6[%get3A_77] {strides = array<i32>} : memref<1024xf32, #tpu.memory_space<vmem>>, vector<16xf32>,
    %sub3A_79 = arith.subf %get3A_76, %get3A_78 : vector<16xf32>
    %mul3A_80 = arith.mulf %sub3A_79, %sub3A_79 : vector<16xf32>
    %add3A_81 = arith.addf %add3A, %mul3A_80 : vector<16xf32>
    %masked_sort3A_82 = arith.constant dense<true> : vector<16xi1>
    %masked_sort3A_83, %masked_sort3A_84, %masked_sort3A_85 = tpu.sort %max3A, %max3A masked %masked_sort3A_82 : (vector<16xf32>, vector<16xf32>, vector<16xi1>) -> (vector<16xi1>, vector<16xf32>, vector<16xf32>)
    %masked_sort3A_86 = arith.constant dense<true> : vector<16xi1>
    %masked_sort3A_87, %masked_sort3A_88, %masked_sort3A_89 = tpu.sort %mul3A_80, %mul3A_80 masked %masked_sort3A_86 {descending = true} : (vector<16xf32>, vector<16xf32>, vector<16xi1>) -> (vector<16xi1>, vector<16xf32>, vector<16xf32>)
    %max3A_90 = arith.maximumf %masked_sort3A_84, %masked_sort3A_88 : vector<16xf32>
    %get3A_91 = arith.constant 80 : index
    %get3A_92 = tpu.vector_load %arg5[%get3A_91] {strides = array<i32>} : memref<1024xf32, #tpu.memory_space<vmem>>, vector<16xf32>,
    %get3A_93 = arith.constant 80 : index
    %get3A_94 = tpu.vector_load %arg6[%get3A_93] {strides = array<i32>} : memref<1024xf32, #tpu.memory_space<vmem>>, vector<16xf32>,
    %sub3A_95 = arith.subf %get3A_92, %get3A_94 : vector<16xf32>
    %mul3A_96 = arith.mulf %sub3A_95, %sub3A_95 : vector<16xf32>
    %add3A_97 = arith.addf %add3A_33, %mul3A_96 : vector<16xf32>
    %masked_sort3A_98 = arith.constant dense<true> : vector<16xi1>
    %masked_sort3A_99, %masked_sort3A_100, %masked_sort3A_101 = tpu.sort %max3A_42, %max3A_42 masked %masked_sort3A_98 : (vector<16xf32>, vector<16xf32>, vector<16xi1>) -> (vector<16xi1>, vector<16xf32>, vector<16xf32>)
    %masked_sort3A_102 = arith.constant dense<true> : vector<16xi1>
    %masked_sort3A_103, %masked_sort3A_104, %masked_sort3A_105 = tpu.sort %mul3A_96, %mul3A_96 masked %masked_sort3A_102 {descending = true} : (vector<16xf32>, vector<16xf32>, vector<16xi1>) -> (vector<16xi1>, vector<16xf32>, vector<16xf32>)
    %max3A_106 = arith.maximumf %masked_sort3A_100, %masked_sort3A_104 : vector<16xf32>
    %get3A_107 = arith.constant 96 : index
    %get3A_108 = tpu.vector_load %arg5[%get3A_107] {strides = array<i32>} : memref<1024xf32, #tpu.memory_space<vmem>>, vector<16xf32>,
    %get3A_109 = arith.constant 96 : index
    %get3A_110 = tpu.vector_load %arg6[%get3A_109] {strides = array<i32>} : memref<1024xf32, #tpu.memory_space<vmem>>, vector<16xf32>,
    %sub3A_111 = arith.subf %get3A_108, %get3A_110 : vector<16xf32>
    %mul3A_112 = arith.mulf %sub3A_111, %sub3A_111 : vector<16xf32>
    %add3A_113 = arith.addf %add3A_49, %mul3A_112 : vector<16xf32>
    %masked_sort3A_114 = arith.constant dense<true> : vector<16xi1>
    %masked_sort3A_115, %masked_sort3A_116, %masked_sort3A_117 = tpu.sort %max3A_58, %max3A_58 masked %masked_sort3A_114 : (vector<16xf32>, vector<16xf32>, vector<16xi1>) -> (vector<16xi1>, vector<16xf32>, vector<16xf32>)
    %masked_sort3A_118 = arith.constant dense<true> : vector<16xi1>
    %masked_sort3A_119, %masked_sort3A_120, %masked_sort3A_121 = tpu.sort %mul3A_112, %mul3A_112 masked %masked_sort3A_118 {descending = true} : (vector<16xf32>, vector<16xf32>, vector<16xi1>) -> (vector<16xi1>, vector<16xf32>, vector<16xf32>)
    %max3A_122 = arith.maximumf %masked_sort3A_116, %masked_sort3A_120 : vector<16xf32>
    %get3A_123 = arith.constant 112 : index
    %get3A_124 = tpu.vector_load %arg5[%get3A_123] {strides = array<i32>} : memref<1024xf32, #tpu.memory_space<vmem>>, vector<16xf32>,
    %get3A_125 = arith.constant 112 : index
    %get3A_126 = tpu.vector_load %arg6[%get3A_125] {strides = array<i32>} : memref<1024xf32, #tpu.memory_space<vmem>>, vector<16xf32>,
    %sub3A_127 = arith.subf %get3A_124, %get3A_126 : vector<16xf32>
    %mul3A_128 = arith.mulf %sub3A_127, %sub3A_127 : vector<16xf32>
    %add3A_129 = arith.addf %add3A_65, %mul3A_128 : vector<16xf32>
    %masked_sort3A_130 = arith.constant dense<true> : vector<16xi1>
    %masked_sort3A_131, %masked_sort3A_132, %masked_sort3A_133 = tpu.sort %max3A_74, %max3A_74 masked %masked_sort3A_130 : (vector<16xf32>, vector<16xf32>, vector<16xi1>) -> (vector<16xi1>, vector<16xf32>, vector<16xf32>)
    %masked_sort3A_134 = arith.constant dense<true> : vector<16xi1>
    %masked_sort3A_135, %masked_sort3A_136, %masked_sort3A_137 = tpu.sort %mul3A_128, %mul3A_128 masked %masked_sort3A_134 {descending = true} : (vector<16xf32>, vector<16xf32>, vector<16xi1>) -> (vector<16xi1>, vector<16xf32>, vector<16xf32>)
    %max3A_138 = arith.maximumf %masked_sort3A_132, %masked_sort3A_136 : vector<16xf32>
    %get3A_139 = arith.constant 128 : index
    %get3A_140 = tpu.vector_load %arg5[%get3A_139] {strides = array<i32>} : memref<1024xf32, #tpu.memory_space<vmem>>, vector<16xf32>,
    %get3A_141 = arith.constant 128 : index
    %get3A_142 = tpu.vector_load %arg6[%get3A_141] {strides = array<i32>} : memref<1024xf32, #tpu.memory_space<vmem>>, vector<16xf32>,
    %sub3A_143 = arith.subf %get3A_140, %get3A_142 : vector<16xf32>
    %mul3A_144 = arith.mulf %sub3A_143, %sub3A_143 : vector<16xf32>
    %add3A_145 = arith.addf %add3A_81, %mul3A_144 : vector<16xf32>
    %masked_sort3A_146 = arith.constant dense<true> : vector<16xi1>
    %masked_sort3A_147, %masked_sort3A_148, %masked_sort3A_149 = tpu.sort %max3A_90, %max3A_90 masked %masked_sort3A_146 : (vector<16xf32>, vector<16xf32>, vector<16xi1>) -> (vector<16xi1>, vector<16xf32>, vector<16xf32>)
    %masked_sort3A_150 = arith.constant dense<true> : vector<16xi1>
    %masked_sort3A_151, %masked_sort3A_152, %masked_sort3A_153 = tpu.sort %mul3A_144, %mul3A_144 masked %masked_sort3A_150 {descending = true} : (vector<16xf32>, vector<16xf32>, vector<16xi1>) -> (vector<16xi1>, vector<16xf32>, vector<16xf32>)
    %max3A_154 = arith.maximumf %masked_sort3A_148, %masked_sort3A_152 : vector<16xf32>
    %get3A_155 = arith.constant 144 : index
    %get3A_156 = tpu.vector_load %arg5[%get3A_155] {strides = array<i32>} : memref<1024xf32, #tpu.memory_space<vmem>>, vector<16xf32>,
    %get3A_157 = arith.constant 144 : index
    %get3A_158 = tpu.vector_load %arg6[%get3A_157] {strides = array<i32>} : memref<1024xf32, #tpu.memory_space<vmem>>, vector<16xf32>,
    %sub3A_159 = arith.subf %get3A_156, %get3A_158 : vector<16xf32>
    %mul3A_160 = arith.mulf %sub3A_159, %sub3A_159 : vector<16xf32>
    %add3A_161 = arith.addf %add3A_97, %mul3A_160 : vector<16xf32>
    %masked_sort3A_162 = arith.constant dense<true> : vector<16xi1>
    %masked_sort3A_163, %masked_sort3A_164, %masked_sort3A_165 = tpu.sort %max3A_106, %max3A_106 masked %masked_sort3A_162 : (vector<16xf32>, vector<16xf32>, vector<16xi1>) -> (vector<16xi1>, vector<16xf32>, vector<16xf32>)
    %masked_sort3A_166 = arith.constant dense<true> : vector<16xi1>
    %masked_sort3A_167, %masked_sort3A_168, %masked_sort3A_169 = tpu.sort %mul3A_160, %mul3A_160 masked %masked_sort3A_166 {descending = true} : (vector<16xf32>, vector<16xf32>, vector<16xi1>) -> (vector<16xi1>, vector<16xf32>, vector<16xf32>)
    %max3A_170 = arith.maximumf %masked_sort3A_164, %masked_sort3A_168 : vector<16xf32>
    %get3A_171 = arith.constant 160 : index
    %get3A_172 = tpu.vector_load %arg5[%get3A_171] {strides = array<i32>} : memref<1024xf32, #tpu.memory_space<vmem>>, vector<16xf32>,
    %get3A_173 = arith.constant 160 : index
    %get3A_174 = tpu.vector_load %arg6[%get3A_173] {strides = array<i32>} : memref<1024xf32, #tpu.memory_space<vmem>>, vector<16xf32>,
    %sub3A_175 = arith.subf %get3A_172, %get3A_174 : vector<16xf32>
    %mul3A_176 = arith.mulf %sub3A_175, %sub3A_175 : vector<16xf32>
    %add3A_177 = arith.addf %add3A_113, %mul3A_176 : vector<16xf32>
    %masked_sort3A_178 = arith.constant dense<true> : vector<16xi1>
    %masked_sort3A_179, %masked_sort3A_180, %masked_sort3A_181 = tpu.sort %max3A_122, %max3A_122 masked %masked_sort3A_178 : (vector<16xf32>, vector<16xf32>, vector<16xi1>) -> (vector<16xi1>, vector<16xf32>, vector<16xf32>)
    %masked_sort3A_182 = arith.constant dense<true> : vector<16xi1>
    %masked_sort3A_183, %masked_sort3A_184, %masked_sort3A_185 = tpu.sort %mul3A_176, %mul3A_176 masked %masked_sort3A_182 {descending = true} : (vector<16xf32>, vector<16xf32>, vector<16xi1>) -> (vector<16xi1>, vector<16xf32>, vector<16xf32>)
    %max3A_186 = arith.maximumf %masked_sort3A_180, %masked_sort3A_184 : vector<16xf32>
    %get3A_187 = arith.constant 176 : index
    %get3A_188 = tpu.vector_load %arg5[%get3A_187] {strides = array<i32>} : memref<1024xf32, #tpu.memory_space<vmem>>, vector<16xf32>,
    %get3A_189 = arith.constant 176 : index
    %get3A_190 = tpu.vector_load %arg6[%get3A_189] {strides = array<i32>} : memref<1024xf32, #tpu.memory_space<vmem>>, vector<16xf32>,
    %sub3A_191 = arith.subf %get3A_188, %get3A_190 : vector<16xf32>
    %mul3A_192 = arith.mulf %sub3A_191, %sub3A_191 : vector<16xf32>
    %add3A_193 = arith.addf %add3A_129, %mul3A_192 : vector<16xf32>
    %masked_sort3A_194 = arith.constant dense<true> : vector<16xi1>
    %masked_sort3A_195, %masked_sort3A_196, %masked_sort3A_197 = tpu.sort %max3A_138, %max3A_138 masked %masked_sort3A_194 : (vector<16xf32>, vector<16xf32>, vector<16xi1>) -> (vector<16xi1>, vector<16xf32>, vector<16xf32>)
    %masked_sort3A_198 = arith.constant dense<true> : vector<16xi1>
    %masked_sort3A_199, %masked_sort3A_200, %masked_sort3A_201 = tpu.sort %mul3A_192, %mul3A_192 masked %masked_sort3A_198 {descending = true} : (vector<16xf32>, vector<16xf32>, vector<16xi1>) -> (vector<16xi1>, vector<16xf32>, vector<16xf32>)
    %max3A_202 = arith.maximumf %masked_sort3A_196, %masked_sort3A_200 : vector<16xf32>
    %get3A_203 = arith.constant 192 : index
    %get3A_204 = tpu.vector_load %arg5[%get3A_203] {strides = array<i32>} : memref<1024xf32, #tpu.memory_space<vmem>>, vector<16xf32>,
    %get3A_205 = arith.constant 192 : index
    %get3A_206 = tpu.vector_load %arg6[%get3A_205] {strides = array<i32>} : memref<1024xf32, #tpu.memory_space<vmem>>, vector<16xf32>,
    %sub3A_207 = arith.subf %get3A_204, %get3A_206 : vector<16xf32>
    %mul3A_208 = arith.mulf %sub3A_207, %sub3A_207 : vector<16xf32>
    %add3A_209 = arith.addf %add3A_145, %mul3A_208 : vector<16xf32>
    %masked_sort3A_210 = arith.constant dense<true> : vector<16xi1>
    %masked_sort3A_211, %masked_sort3A_212, %masked_sort3A_213 = tpu.sort %max3A_154, %max3A_154 masked %masked_sort3A_210 : (vector<16xf32>, vector<16xf32>, vector<16xi1>) -> (vector<16xi1>, vector<16xf32>, vector<16xf32>)
    %masked_sort3A_214 = arith.constant dense<true> : vector<16xi1>
    %masked_sort3A_215, %masked_sort3A_216, %masked_sort3A_217 = tpu.sort %mul3A_208, %mul3A_208 masked %masked_sort3A_214 {descending = true} : (vector<16xf32>, vector<16xf32>, vector<16xi1>) -> (vector<16xi1>, vector<16xf32>, vector<16xf32>)
    %max3A_218 = arith.maximumf %masked_sort3A_212, %masked_sort3A_216 : vector<16xf32>
    %get3A_219 = arith.constant 208 : index
    %get3A_220 = tpu.vector_load %arg5[%get3A_219] {strides = array<i32>} : memref<1024xf32, #tpu.memory_space<vmem>>, vector<16xf32>,
    %get3A_221 = arith.constant 208 : index
    %get3A_222 = tpu.vector_load %arg6[%get3A_221] {strides = array<i32>} : memref<1024xf32, #tpu.memory_space<vmem>>, vector<16xf32>,
    %sub3A_223 = arith.subf %get3A_220, %get3A_222 : vector<16xf32>
    %mul3A_224 = arith.mulf %sub3A_223, %sub3A_223 : vector<16xf32>
    %add3A_225 = arith.addf %add3A_161, %mul3A_224 : vector<16xf32>
    %masked_sort3A_226 = arith.constant dense<true> : vector<16xi1>
    %masked_sort3A_227, %masked_sort3A_228, %masked_sort3A_229 = tpu.sort %max3A_170, %max3A_170 masked %masked_sort3A_226 : (vector<16xf32>, vector<16xf32>, vector<16xi1>) -> (vector<16xi1>, vector<16xf32>, vector<16xf32>)
    %masked_sort3A_230 = arith.constant dense<true> : vector<16xi1>
    %masked_sort3A_231, %masked_sort3A_232, %masked_sort3A_233 = tpu.sort %mul3A_224, %mul3A_224 masked %masked_sort3A_230 {descending = true} : (vector<16xf32>, vector<16xf32>, vector<16xi1>) -> (vector<16xi1>, vector<16xf32>, vector<16xf32>)
    %max3A_234 = arith.maximumf %masked_sort3A_228, %masked_sort3A_232 : vector<16xf32>
    %get3A_235 = arith.constant 224 : index
    %get3A_236 = tpu.vector_load %arg5[%get3A_235] {strides = array<i32>} : memref<1024xf32, #tpu.memory_space<vmem>>, vector<16xf32>,
    %get3A_237 = arith.constant 224 : index
    %get3A_238 = tpu.vector_load %arg6[%get3A_237] {strides = array<i32>} : memref<1024xf32, #tpu.memory_space<vmem>>, vector<16xf32>,
    %sub3A_239 = arith.subf %get3A_236, %get3A_238 : vector<16xf32>
    %mul3A_240 = arith.mulf %sub3A_239, %sub3A_239 : vector<16xf32>
    %add3A_241 = arith.addf %add3A_177, %mul3A_240 : vector<16xf32>
    %masked_sort3A_242 = arith.constant dense<true> : vector<16xi1>
    %masked_sort3A_243, %masked_sort3A_244, %masked_sort3A_245 = tpu.sort %max3A_186, %max3A_186 masked %masked_sort3A_242 : (vector<16xf32>, vector<16xf32>, vector<16xi1>) -> (vector<16xi1>, vector<16xf32>, vector<16xf32>)
    %masked_sort3A_246 = arith.constant dense<true> : vector<16xi1>
    %masked_sort3A_247, %masked_sort3A_248, %masked_sort3A_249 = tpu.sort %mul3A_240, %mul3A_240 masked %masked_sort3A_246 {descending = true} : (vector<16xf32>, vector<16xf32>, vector<16xi1>) -> (vector<16xi1>, vector<16xf32>, vector<16xf32>)
    %max3A_250 = arith.maximumf %masked_sort3A_244, %masked_sort3A_248 : vector<16xf32>
    %get3A_251 = arith.constant 240 : index
    %get3A_252 = tpu.vector_load %arg5[%get3A_251] {strides = array<i32>} : memref<1024xf32, #tpu.memory_space<vmem>>, vector<16xf32>,
    %get3A_253 = arith.constant 240 : index
    %get3A_254 = tpu.vector_load %arg6[%get3A_253] {strides = array<i32>} : memref<1024xf32, #tpu.memory_space<vmem>>, vector<16xf32>,
    %sub3A_255 = arith.subf %get3A_252, %get3A_254 : vector<16xf32>
    %mul3A_256 = arith.mulf %sub3A_255, %sub3A_255 : vector<16xf32>
    %add3A_257 = arith.addf %add3A_193, %mul3A_256 : vector<16xf32>
    %masked_sort3A_258 = arith.constant dense<true> : vector<16xi1>
    %masked_sort3A_259, %masked_sort3A_260, %masked_sort3A_261 = tpu.sort %max3A_202, %max3A_202 masked %masked_sort3A_258 : (vector<16xf32>, vector<16xf32>, vector<16xi1>) -> (vector<16xi1>, vector<16xf32>, vector<16xf32>)
    %masked_sort3A_262 = arith.constant dense<true> : vector<16xi1>
    %masked_sort3A_263, %masked_sort3A_264, %masked_sort3A_265 = tpu.sort %mul3A_256, %mul3A_256 masked %masked_sort3A_262 {descending = true} : (vector<16xf32>, vector<16xf32>, vector<16xi1>) -> (vector<16xi1>, vector<16xf32>, vector<16xf32>)
    %max3A_266 = arith.maximumf %masked_sort3A_260, %masked_sort3A_264 : vector<16xf32>
    %get3A_267 = arith.constant 256 : index
    %get3A_268 = tpu.vector_load %arg5[%get3A_267] {strides = array<i32>} : memref<1024xf32, #tpu.memory_space<vmem>>, vector<16xf32>,
    %get3A_269 = arith.constant 256 : index
    %get3A_270 = tpu.vector_load %arg6[%get3A_269] {strides = array<i32>} : memref<1024xf32, #tpu.memory_space<vmem>>, vector<16xf32>,
    %sub3A_271 = arith.subf %get3A_268, %get3A_270 : vector<16xf32>
    %mul3A_272 = arith.mulf %sub3A_271, %sub3A_271 : vector<16xf32>
    %add3A_273 = arith.addf %add3A_209, %mul3A_272 : vector<16xf32>
    %masked_sort3A_274 = arith.constant dense<true> : vector<16xi1>
    %masked_sort3A_275, %masked_sort3A_276, %masked_sort3A_277 = tpu.sort %max3A_218, %max3A_218 masked %masked_sort3A_274 : (vector<16xf32>, vector<16xf32>, vector<16xi1>) -> (vector<16xi1>, vector<16xf32>, vector<16xf32>)
    %masked_sort3A_278 = arith.constant dense<true> : vector<16xi1>
    %masked_sort3A_279, %masked_sort3A_280, %masked_sort3A_281 = tpu.sort %mul3A_272, %mul3A_272 masked %masked_sort3A_278 {descending = true} : (vector<16xf32>, vector<16xf32>, vector<16xi1>) -> (vector<16xi1>, vector<16xf32>, vector<16xf32>)
    %max3A_282 = arith.maximumf %masked_sort3A_276, %masked_sort3A_280 : vector<16xf32>
    %get3A_283 = arith.constant 272 : index
    %get3A_284 = tpu.vector_load %arg5[%get3A_283] {strides = array<i32>} : memref<1024xf32, #tpu.memory_space<vmem>>, vector<16xf32>,
    %get3A_285 = arith.constant 272 : index
    %get3A_286 = tpu.vector_load %arg6[%get3A_285] {strides = array<i32>} : memref<1024xf32, #tpu.memory_space<vmem>>, vector<16xf32>,
    %sub3A_287 = arith.subf %get3A_284, %get3A_286 : vector<16xf32>
    %mul3A_288 = arith.mulf %sub3A_287, %sub3A_287 : vector<16xf32>
    %add3A_289 = arith.addf %add3A_225, %mul3A_288 : vector<16xf32>
    %masked_sort3A_290 = arith.constant dense<true> : vector<16xi1>
    %masked_sort3A_291, %masked_sort3A_292, %masked_sort3A_293 = tpu.sort %max3A_234, %max3A_234 masked %masked_sort3A_290 : (vector<16xf32>, vector<16xf32>, vector<16xi1>) -> (vector<16xi1>, vector<16xf32>, vector<16xf32>)
    %masked_sort3A_294 = arith.constant dense<true> : vector<16xi1>
    %masked_sort3A_295, %masked_sort3A_296, %masked_sort3A_297 = tpu.sort %mul3A_288, %mul3A_288 masked %masked_sort3A_294 {descending = true} : (vector<16xf32>, vector<16xf32>, vector<16xi1>) -> (vector<16xi1>, vector<16xf32>, vector<16xf32>)
    %max3A_298 = arith.maximumf %masked_sort3A_292, %masked_sort3A_296 : vector<16xf32>
    %get3A_299 = arith.constant 288 : index
    %get3A_300 = tpu.vector_load %arg5[%get3A_299] {strides = array<i32>} : memref<1024xf32, #tpu.memory_space<vmem>>, vector<16xf32>,
    %get3A_301 = arith.constant 288 : index
    %get3A_302 = tpu.vector_load %arg6[%get3A_301] {strides = array<i32>} : memref<1024xf32, #tpu.memory_space<vmem>>, vector<16xf32>,
    %sub3A_303 = arith.subf %get3A_300, %get3A_302 : vector<16xf32>
    %mul3A_304 = arith.mulf %sub3A_303, %sub3A_303 : vector<16xf32>
    %add3A_305 = arith.addf %add3A_241, %mul3A_304 : vector<16xf32>
    %masked_sort3A_306 = arith.constant dense<true> : vector<16xi1>
    %masked_sort3A_307, %masked_sort3A_308, %masked_sort3A_309 = tpu.sort %max3A_250, %max3A_250 masked %masked_sort3A_306 : (vector<16xf32>, vector<16xf32>, vector<16xi1>) -> (vector<16xi1>, vector<16xf32>, vector<16xf32>)
    %masked_sort3A_310 = arith.constant dense<true> : vector<16xi1>
    %masked_sort3A_311, %masked_sort3A_312, %masked_sort3A_313 = tpu.sort %mul3A_304, %mul3A_304 masked %masked_sort3A_310 {descending = true} : (vector<16xf32>, vector<16xf32>, vector<16xi1>) -> (vector<16xi1>, vector<16xf32>, vector<16xf32>)
    %max3A_314 = arith.maximumf %masked_sort3A_308, %masked_sort3A_312 : vector<16xf32>
    %get3A_315 = arith.constant 304 : index
    %get3A_316 = tpu.vector_load %arg5[%get3A_315] {strides = array<i32>} : memref<1024xf32, #tpu.memory_space<vmem>>, vector<16xf32>,
    %get3A_317 = arith.constant 304 : index
    %get3A_318 = tpu.vector_load %arg6[%get3A_317] {strides = array<i32>} : memref<1024xf32, #tpu.memory_space<vmem>>, vector<16xf32>,
    %sub3A_319 = arith.subf %get3A_316, %get3A_318 : vector<16xf32>
    %mul3A_320 = arith.mulf %sub3A_319, %sub3A_319 : vector<16xf32>
    %add3A_321 = arith.addf %add3A_257, %mul3A_320 : vector<16xf32>
    %masked_sort3A_322 = arith.constant dense<true> : vector<16xi1>
    %masked_sort3A_323, %masked_sort3A_324, %masked_sort3A_325 = tpu.sort %max3A_266, %max3A_266 masked %masked_sort3A_322 : (vector<16xf32>, vector<16xf32>, vector<16xi1>) -> (vector<16xi1>, vector<16xf32>, vector<16xf32>)
    %masked_sort3A_326 = arith.constant dense<true> : vector<16xi1>
    %masked_sort3A_327, %masked_sort3A_328, %masked_sort3A_329 = tpu.sort %mul3A_320, %mul3A_320 masked %masked_sort3A_326 {descending = true} : (vector<16xf32>, vector<16xf32>, vector<16xi1>) -> (vector<16xi1>, vector<16xf32>, vector<16xf32>)
    %max3A_330 = arith.maximumf %masked_sort3A_324, %masked_sort3A_328 : vector<16xf32>
    %get3A_331 = arith.constant 320 : index
    %get3A_332 = tpu.vector_load %arg5[%get3A_331] {strides = array<i32>} : memref<1024xf32, #tpu.memory_space<vmem>>, vector<16xf32>,
    %get3A_333 = arith.constant 320 : index
    %get3A_334 = tpu.vector_load %arg6[%get3A_333] {strides = array<i32>} : memref<1024xf32, #tpu.memory_space<vmem>>, vector<16xf32>,
    %sub3A_335 = arith.subf %get3A_332, %get3A_334 : vector<16xf32>
    %mul3A_336 = arith.mulf %sub3A_335, %sub3A_335 : vector<16xf32>
    %add3A_337 = arith.addf %add3A_273, %mul3A_336 : vector<16xf32>
    %masked_sort3A_338 = arith.constant dense<true> : vector<16xi1>
    %masked_sort3A_339, %masked_sort3A_340, %masked_sort3A_341 = tpu.sort %max3A_282, %max3A_282 masked %masked_sort3A_338 : (vector<16xf32>, vector<16xf32>, vector<16xi1>) -> (vector<16xi1>, vector<16xf32>, vector<16xf32>)
    %masked_sort3A_342 = arith.constant dense<true> : vector<16xi1>
    %masked_sort3A_343, %masked_sort3A_344, %masked_sort3A_345 = tpu.sort %mul3A_336, %mul3A_336 masked %masked_sort3A_342 {descending = true} : (vector<16xf32>, vector<16xf32>, vector<16xi1>) -> (vector<16xi1>, vector<16xf32>, vector<16xf32>)
    %max3A_346 = arith.maximumf %masked_sort3A_340, %masked_sort3A_344 : vector<16xf32>
    %get3A_347 = arith.constant 336 : index
    %get3A_348 = tpu.vector_load %arg5[%get3A_347] {strides = array<i32>} : memref<1024xf32, #tpu.memory_space<vmem>>, vector<16xf32>,
    %get3A_349 = arith.constant 336 : index
    %get3A_350 = tpu.vector_load %arg6[%get3A_349] {strides = array<i32>} : memref<1024xf32, #tpu.memory_space<vmem>>, vector<16xf32>,
    %sub3A_351 = arith.subf %get3A_348, %get3A_350 : vector<16xf32>
    %mul3A_352 = arith.mulf %sub3A_351, %sub3A_351 : vector<16xf32>
    %add3A_353 = arith.addf %add3A_289, %mul3A_352 : vector<16xf32>
    %masked_sort3A_354 = arith.constant dense<true> : vector<16xi1>
    %masked_sort3A_355, %masked_sort3A_356, %masked_sort3A_357 = tpu.sort %max3A_298, %max3A_298 masked %masked_sort3A_354 : (vector<16xf32>, vector<16xf32>, vector<16xi1>) -> (vector<16xi1>, vector<16xf32>, vector<16xf32>)
    %masked_sort3A_358 = arith.constant dense<true> : vector<16xi1>
    %masked_sort3A_359, %masked_sort3A_360, %masked_sort3A_361 = tpu.sort %mul3A_352, %mul3A_352 masked %masked_sort3A_358 {descending = true} : (vector<16xf32>, vector<16xf32>, vector<16xi1>) -> (vector<16xi1>, vector<16xf32>, vector<16xf32>)
    %max3A_362 = arith.maximumf %masked_sort3A_356, %masked_sort3A_360 : vector<16xf32>
    %get3A_363 = arith.constant 352 : index
    %get3A_364 = tpu.vector_load %arg5[%get3A_363] {strides = array<i32>} : memref<1024xf32, #tpu.memory_space<vmem>>, vector<16xf32>,
    %get3A_365 = arith.constant 352 : index
    %get3A_366 = tpu.vector_load %arg6[%get3A_365] {strides = array<i32>} : memref<1024xf32, #tpu.memory_space<vmem>>, vector<16xf32>,
    %sub3A_367 = arith.subf %get3A_364, %get3A_366 : vector<16xf32>
    %mul3A_368 = arith.mulf %sub3A_367, %sub3A_367 : vector<16xf32>
    %add3A_369 = arith.addf %add3A_305, %mul3A_368 : vector<16xf32>
    %masked_sort3A_370 = arith.constant dense<true> : vector<16xi1>
    %masked_sort3A_371, %masked_sort3A_372, %masked_sort3A_373 = tpu.sort %max3A_314, %max3A_314 masked %masked_sort3A_370 : (vector<16xf32>, vector<16xf32>, vector<16xi1>) -> (vector<16xi1>, vector<16xf32>, vector<16xf32>)
    %masked_sort3A_374 = arith.constant dense<true> : vector<16xi1>
    %masked_sort3A_375, %masked_sort3A_376, %masked_sort3A_377 = tpu.sort %mul3A_368, %mul3A_368 masked %masked_sort3A_374 {descending = true} : (vector<16xf32>, vector<16xf32>, vector<16xi1>) -> (vector<16xi1>, vector<16xf32>, vector<16xf32>)
    %max3A_378 = arith.maximumf %masked_sort3A_372, %masked_sort3A_376 : vector<16xf32>
    %get3A_379 = arith.constant 368 : index
    %get3A_380 = tpu.vector_load %arg5[%get3A_379] {strides = array<i32>} : memref<1024xf32, #tpu.memory_space<vmem>>, vector<16xf32>,
    %get3A_381 = arith.constant 368 : index
    %get3A_382 = tpu.vector_load %arg6[%get3A_381] {strides = array<i32>} : memref<1024xf32, #tpu.memory_space<vmem>>, vector<16xf32>,
    %sub3A_383 = arith.subf %get3A_380, %get3A_382 : vector<16xf32>
    %mul3A_384 = arith.mulf %sub3A_383, %sub3A_383 : vector<16xf32>
    %add3A_385 = arith.addf %add3A_321, %mul3A_384 : vector<16xf32>
    %masked_sort3A_386 = arith.constant dense<true> : vector<16xi1>
    %masked_sort3A_387, %masked_sort3A_388, %masked_sort3A_389 = tpu.sort %max3A_330, %max3A_330 masked %masked_sort3A_386 : (vector<16xf32>, vector<16xf32>, vector<16xi1>) -> (vector<16xi1>, vector<16xf32>, vector<16xf32>)
    %masked_sort3A_390 = arith.constant dense<true> : vector<16xi1>
    %masked_sort3A_391, %masked_sort3A_392, %masked_sort3A_393 = tpu.sort %mul3A_384, %mul3A_384 masked %masked_sort3A_390 {descending = true} : (vector<16xf32>, vector<16xf32>, vector<16xi1>) -> (vector<16xi1>, vector<16xf32>, vector<16xf32>)
    %max3A_394 = arith.maximumf %masked_sort3A_388, %masked_sort3A_392 : vector<16xf32>
    %get3A_395 = arith.constant 384 : index
    %get3A_396 = tpu.vector_load %arg5[%get3A_395] {strides = array<i32>} : memref<1024xf32, #tpu.memory_space<vmem>>, vector<16xf32>,
    %get3A_397 = arith.constant 384 : index
    %get3A_398 = tpu.vector_load %arg6[%get3A_397] {strides = array<i32>} : memref<1024xf32, #tpu.memory_space<vmem>>, vector<16xf32>,
    %sub3A_399 = arith.subf %get3A_396, %get3A_398 : vector<16xf32>
    %mul3A_400 = arith.mulf %sub3A_399, %sub3A_399 : vector<16xf32>
    %add3A_401 = arith.addf %add3A_337, %mul3A_400 : vector<16xf32>
    %masked_sort3A_402 = arith.constant dense<true> : vector<16xi1>
    %masked_sort3A_403, %masked_sort3A_404, %masked_sort3A_405 = tpu.sort %max3A_346, %max3A_346 masked %masked_sort3A_402 : (vector<16xf32>, vector<16xf32>, vector<16xi1>) -> (vector<16xi1>, vector<16xf32>, vector<16xf32>)
    %masked_sort3A_406 = arith.constant dense<true> : vector<16xi1>
    %masked_sort3A_407, %masked_sort3A_408, %masked_sort3A_409 = tpu.sort %mul3A_400, %mul3A_400 masked %masked_sort3A_406 {descending = true} : (vector<16xf32>, vector<16xf32>, vector<16xi1>) -> (vector<16xi1>, vector<16xf32>, vector<16xf32>)
    %max3A_410 = arith.maximumf %masked_sort3A_404, %masked_sort3A_408 : vector<16xf32>
    %get3A_411 = arith.constant 400 : index
    %get3A_412 = tpu.vector_load %arg5[%get3A_411] {strides = array<i32>} : memref<1024xf32, #tpu.memory_space<vmem>>, vector<16xf32>,
    %get3A_413 = arith.constant 400 : index
    %get3A_414 = tpu.vector_load %arg6[%get3A_413] {strides = array<i32>} : memref<1024xf32, #tpu.memory_space<vmem>>, vector<16xf32>,
    %sub3A_415 = arith.subf %get3A_412, %get3A_414 : vector<16xf32>
    %mul3A_416 = arith.mulf %sub3A_415, %sub3A_415 : vector<16xf32>
    %add3A_417 = arith.addf %add3A_353, %mul3A_416 : vector<16xf32>
    %masked_sort3A_418 = arith.constant dense<true> : vector<16xi1>
    %masked_sort3A_419, %masked_sort3A_420, %masked_sort3A_421 = tpu.sort %max3A_362, %max3A_362 masked %masked_sort3A_418 : (vector<16xf32>, vector<16xf32>, vector<16xi1>) -> (vector<16xi1>, vector<16xf32>, vector<16xf32>)
    %masked_sort3A_422 = arith.constant dense<true> : vector<16xi1>
    %masked_sort3A_423, %masked_sort3A_424, %masked_sort3A_425 = tpu.sort %mul3A_416, %mul3A_416 masked %masked_sort3A_422 {descending = true} : (vector<16xf32>, vector<16xf32>, vector<16xi1>) -> (vector<16xi1>, vector<16xf32>, vector<16xf32>)
    %max3A_426 = arith.maximumf %masked_sort3A_420, %masked_sort3A_424 : vector<16xf32>
    %get3A_427 = arith.constant 416 : index
    %get3A_428 = tpu.vector_load %arg5[%get3A_427] {strides = array<i32>} : memref<1024xf32, #tpu.memory_space<vmem>>, vector<16xf32>,
    %get3A_429 = arith.constant 416 : index
    %get3A_430 = tpu.vector_load %arg6[%get3A_429] {strides = array<i32>} : memref<1024xf32, #tpu.memory_space<vmem>>, vector<16xf32>,
    %sub3A_431 = arith.subf %get3A_428, %get3A_430 : vector<16xf32>
    %mul3A_432 = arith.mulf %sub3A_431, %sub3A_431 : vector<16xf32>
    %add3A_433 = arith.addf %add3A_369, %mul3A_432 : vector<16xf32>
    %masked_sort3A_434 = arith.constant dense<true> : vector<16xi1>
    %masked_sort3A_435, %masked_sort3A_436, %masked_sort3A_437 = tpu.sort %max3A_378, %max3A_378 masked %masked_sort3A_434 : (vector<16xf32>, vector<16xf32>, vector<16xi1>) -> (vector<16xi1>, vector<16xf32>, vector<16xf32>)
    %masked_sort3A_438 = arith.constant dense<true> : vector<16xi1>
    %masked_sort3A_439, %masked_sort3A_440, %masked_sort3A_441 = tpu.sort %mul3A_432, %mul3A_432 masked %masked_sort3A_438 {descending = true} : (vector<16xf32>, vector<16xf32>, vector<16xi1>) -> (vector<16xi1>, vector<16xf32>, vector<16xf32>)
    %max3A_442 = arith.maximumf %masked_sort3A_436, %masked_sort3A_440 : vector<16xf32>
    %get3A_443 = arith.constant 432 : index
    %get3A_444 = tpu.vector_load %arg5[%get3A_443] {strides = array<i32>} : memref<1024xf32, #tpu.memory_space<vmem>>, vector<16xf32>,
    %get3A_445 = arith.constant 432 : index
    %get3A_446 = tpu.vector_load %arg6[%get3A_445] {strides = array<i32>} : memref<1024xf32, #tpu.memory_space<vmem>>, vector<16xf32>,
    %sub3A_447 = arith.subf %get3A_444, %get3A_446 : vector<16xf32>
    %mul3A_448 = arith.mulf %sub3A_447, %sub3A_447 : vector<16xf32>
    %add3A_449 = arith.addf %add3A_385, %mul3A_448 : vector<16xf32>
    %masked_sort3A_450 = arith.constant dense<true> : vector<16xi1>
    %masked_sort3A_451, %masked_sort3A_452, %masked_sort3A_453 = tpu.sort %max3A_394, %max3A_394 masked %masked_sort3A_450 : (vector<16xf32>, vector<16xf32>, vector<16xi1>) -> (vector<16xi1>, vector<16xf32>, vector<16xf32>)
    %masked_sort3A_454 = arith.constant dense<true> : vector<16xi1>
    %masked_sort3A_455, %masked_sort3A_456, %masked_sort3A_457 = tpu.sort %mul3A_448, %mul3A_448 masked %masked_sort3A_454 {descending = true} : (vector<16xf32>, vector<16xf32>, vector<16xi1>) -> (vector<16xi1>, vector<16xf32>, vector<16xf32>)
    %max3A_458 = arith.maximumf %masked_sort3A_452, %masked_sort3A_456 : vector<16xf32>
    %get3A_459 = arith.constant 448 : index
    %get3A_460 = tpu.vector_load %arg5[%get3A_459] {strides = array<i32>} : memref<1024xf32, #tpu.memory_space<vmem>>, vector<16xf32>,
    %get3A_461 = arith.constant 448 : index
    %get3A_462 = tpu.vector_load %arg6[%get3A_461] {strides = array<i32>} : memref<1024xf32, #tpu.memory_space<vmem>>, vector<16xf32>,
    %sub3A_463 = arith.subf %get3A_460, %get3A_462 : vector<16xf32>
    %mul3A_464 = arith.mulf %sub3A_463, %sub3A_463 : vector<16xf32>
    %add3A_465 = arith.addf %add3A_401, %mul3A_464 : vector<16xf32>
    %masked_sort3A_466 = arith.constant dense<true> : vector<16xi1>
    %masked_sort3A_467, %masked_sort3A_468, %masked_sort3A_469 = tpu.sort %max3A_410, %max3A_410 masked %masked_sort3A_466 : (vector<16xf32>, vector<16xf32>, vector<16xi1>) -> (vector<16xi1>, vector<16xf32>, vector<16xf32>)
    %masked_sort3A_470 = arith.constant dense<true> : vector<16xi1>
    %masked_sort3A_471, %masked_sort3A_472, %masked_sort3A_473 = tpu.sort %mul3A_464, %mul3A_464 masked %masked_sort3A_470 {descending = true} : (vector<16xf32>, vector<16xf32>, vector<16xi1>) -> (vector<16xi1>, vector<16xf32>, vector<16xf32>)
    %max3A_474 = arith.maximumf %masked_sort3A_468, %masked_sort3A_472 : vector<16xf32>
    %get3A_475 = arith.constant 464 : index
    %get3A_476 = tpu.vector_load %arg5[%get3A_475] {strides = array<i32>} : memref<1024xf32, #tpu.memory_space<vmem>>, vector<16xf32>,
    %get3A_477 = arith.constant 464 : index
    %get3A_478 = tpu.vector_load %arg6[%get3A_477] {strides = array<i32>} : memref<1024xf32, #tpu.memory_space<vmem>>, vector<16xf32>,
    %sub3A_479 = arith.subf %get3A_476, %get3A_478 : vector<16xf32>
    %mul3A_480 = arith.mulf %sub3A_479, %sub3A_479 : vector<16xf32>
    %add3A_481 = arith.addf %add3A_417, %mul3A_480 : vector<16xf32>
    %masked_sort3A_482 = arith.constant dense<true> : vector<16xi1>
    %masked_sort3A_483, %masked_sort3A_484, %masked_sort3A_485 = tpu.sort %max3A_426, %max3A_426 masked %masked_sort3A_482 : (vector<16xf32>, vector<16xf32>, vector<16xi1>) -> (vector<16xi1>, vector<16xf32>, vector<16xf32>)
    %masked_sort3A_486 = arith.constant dense<true> : vector<16xi1>
    %masked_sort3A_487, %masked_sort3A_488, %masked_sort3A_489 = tpu.sort %mul3A_480, %mul3A_480 masked %masked_sort3A_486 {descending = true} : (vector<16xf32>, vector<16xf32>, vector<16xi1>) -> (vector<16xi1>, vector<16xf32>, vector<16xf32>)
    %max3A_490 = arith.maximumf %masked_sort3A_484, %masked_sort3A_488 : vector<16xf32>
    %get3A_491 = arith.constant 480 : index
    %get3A_492 = tpu.vector_load %arg5[%get3A_491] {strides = array<i32>} : memref<1024xf32, #tpu.memory_space<vmem>>, vector<16xf32>,
    %get3A_493 = arith.constant 480 : index
    %get3A_494 = tpu.vector_load %arg6[%get3A_493] {strides = array<i32>} : memref<1024xf32, #tpu.memory_space<vmem>>, vector<16xf32>,
    %sub3A_495 = arith.subf %get3A_492, %get3A_494 : vector<16xf32>
    %mul3A_496 = arith.mulf %sub3A_495, %sub3A_495 : vector<16xf32>
    %add3A_497 = arith.addf %add3A_433, %mul3A_496 : vector<16xf32>
    %masked_sort3A_498 = arith.constant dense<true> : vector<16xi1>
    %masked_sort3A_499, %masked_sort3A_500, %masked_sort3A_501 = tpu.sort %max3A_442, %max3A_442 masked %masked_sort3A_498 : (vector<16xf32>, vector<16xf32>, vector<16xi1>) -> (vector<16xi1>, vector<16xf32>, vector<16xf32>)
    %masked_sort3A_502 = arith.constant dense<true> : vector<16xi1>
    %masked_sort3A_503, %masked_sort3A_504, %masked_sort3A_505 = tpu.sort %mul3A_496, %mul3A_496 masked %masked_sort3A_502 {descending = true} : (vector<16xf32>, vector<16xf32>, vector<16xi1>) -> (vector<16xi1>, vector<16xf32>, vector<16xf32>)
    %max3A_506 = arith.maximumf %masked_sort3A_500, %masked_sort3A_504 : vector<16xf32>
    %get3A_507 = arith.constant 496 : index
    %get3A_508 = tpu.vector_load %arg5[%get3A_507] {strides = array<i32>} : memref<1024xf32, #tpu.memory_space<vmem>>, vector<16xf32>,
    %get3A_509 = arith.constant 496 : index
    %get3A_510 = tpu.vector_load %arg6[%get3A_509] {strides = array<i32>} : memref<1024xf32, #tpu.memory_space<vmem>>, vector<16xf32>,
    %sub3A_511 = arith.subf %get3A_508, %get3A_510 : vector<16xf32>
    %mul3A_512 = arith.mulf %sub3A_511, %sub3A_511 : vector<16xf32>
    %add3A_513 = arith.addf %add3A_449, %mul3A_512 : vector<16xf32>
    %masked_sort3A_514 = arith.constant dense<true> : vector<16xi1>
    %masked_sort3A_515, %masked_sort3A_516, %masked_sort3A_517 = tpu.sort %max3A_458, %max3A_458 masked %masked_sort3A_514 : (vector<16xf32>, vector<16xf32>, vector<16xi1>) -> (vector<16xi1>, vector<16xf32>, vector<16xf32>)
    %masked_sort3A_518 = arith.constant dense<true> : vector<16xi1>
    %masked_sort3A_519, %masked_sort3A_520, %masked_sort3A_521 = tpu.sort %mul3A_512, %mul3A_512 masked %masked_sort3A_518 {descending = true} : (vector<16xf32>, vector<16xf32>, vector<16xi1>) -> (vector<16xi1>, vector<16xf32>, vector<16xf32>)
    %max3A_522 = arith.maximumf %masked_sort3A_516, %masked_sort3A_520 : vector<16xf32>
    %get3A_523 = arith.constant 512 : index
    %get3A_524 = tpu.vector_load %arg5[%get3A_523] {strides = array<i32>} : memref<1024xf32, #tpu.memory_space<vmem>>, vector<16xf32>,
    %get3A_525 = arith.constant 512 : index
    %get3A_526 = tpu.vector_load %arg6[%get3A_525] {strides = array<i32>} : memref<1024xf32, #tpu.memory_space<vmem>>, vector<16xf32>,
    %sub3A_527 = arith.subf %get3A_524, %get3A_526 : vector<16xf32>
    %mul3A_528 = arith.mulf %sub3A_527, %sub3A_527 : vector<16xf32>
    %add3A_529 = arith.addf %add3A_465, %mul3A_528 : vector<16xf32>
    %masked_sort3A_530 = arith.constant dense<true> : vector<16xi1>
    %masked_sort3A_531, %masked_sort3A_532, %masked_sort3A_533 = tpu.sort %max3A_474, %max3A_474 masked %masked_sort3A_530 : (vector<16xf32>, vector<16xf32>, vector<16xi1>) -> (vector<16xi1>, vector<16xf32>, vector<16xf32>)
    %masked_sort3A_534 = arith.constant dense<true> : vector<16xi1>
    %masked_sort3A_535, %masked_sort3A_536, %masked_sort3A_537 = tpu.sort %mul3A_528, %mul3A_528 masked %masked_sort3A_534 {descending = true} : (vector<16xf32>, vector<16xf32>, vector<16xi1>) -> (vector<16xi1>, vector<16xf32>, vector<16xf32>)
    %max3A_538 = arith.maximumf %masked_sort3A_532, %masked_sort3A_536 : vector<16xf32>
    %get3A_539 = arith.constant 528 : index
    %get3A_540 = tpu.vector_load %arg5[%get3A_539] {strides = array<i32>} : memref<1024xf32, #tpu.memory_space<vmem>>, vector<16xf32>,
    %get3A_541 = arith.constant 528 : index
    %get3A_542 = tpu.vector_load %arg6[%get3A_541] {strides = array<i32>} : memref<1024xf32, #tpu.memory_space<vmem>>, vector<16xf32>,
    %sub3A_543 = arith.subf %get3A_540, %get3A_542 : vector<16xf32>
    %mul3A_544 = arith.mulf %sub3A_543, %sub3A_543 : vector<16xf32>
    %add3A_545 = arith.addf %add3A_481, %mul3A_544 : vector<16xf32>
    %masked_sort3A_546 = arith.constant dense<true> : vector<16xi1>
    %masked_sort3A_547, %masked_sort3A_548, %masked_sort3A_549 = tpu.sort %max3A_490, %max3A_490 masked %masked_sort3A_546 : (vector<16xf32>, vector<16xf32>, vector<16xi1>) -> (vector<16xi1>, vector<16xf32>, vector<16xf32>)
    %masked_sort3A_550 = arith.constant dense<true> : vector<16xi1>
    %masked_sort3A_551, %masked_sort3A_552, %masked_sort3A_553 = tpu.sort %mul3A_544, %mul3A_544 masked %masked_sort3A_550 {descending = true} : (vector<16xf32>, vector<16xf32>, vector<16xi1>) -> (vector<16xi1>, vector<16xf32>, vector<16xf32>)
    %max3A_554 = arith.maximumf %masked_sort3A_548, %masked_sort3A_552 : vector<16xf32>
    %get3A_555 = arith.constant 544 : index
    %get3A_556 = tpu.vector_load %arg5[%get3A_555] {strides = array<i32>} : memref<1024xf32, #tpu.memory_space<vmem>>, vector<16xf32>,
    %get3A_557 = arith.constant 544 : index
    %get3A_558 = tpu.vector_load %arg6[%get3A_557] {strides = array<i32>} : memref<1024xf32, #tpu.memory_space<vmem>>, vector<16xf32>,
    %sub3A_559 = arith.subf %get3A_556, %get3A_558 : vector<16xf32>
    %mul3A_560 = arith.mulf %sub3A_559, %sub3A_559 : vector<16xf32>
    %add3A_561 = arith.addf %add3A_497, %mul3A_560 : vector<16xf32>
    %masked_sort3A_562 = arith.constant dense<true> : vector<16xi1>
    %masked_sort3A_563, %masked_sort3A_564, %masked_sort3A_565 = tpu.sort %max3A_506, %max3A_506 masked %masked_sort3A_562 : (vector<16xf32>, vector<16xf32>, vector<16xi1>) -> (vector<16xi1>, vector<16xf32>, vector<16xf32>)
    %masked_sort3A_566 = arith.constant dense<true> : vector<16xi1>
    %masked_sort3A_567, %masked_sort3A_568, %masked_sort3A_569 = tpu.sort %mul3A_560, %mul3A_560 masked %masked_sort3A_566 {descending = true} : (vector<16xf32>, vector<16xf32>, vector<16xi1>) -> (vector<16xi1>, vector<16xf32>, vector<16xf32>)
    %max3A_570 = arith.maximumf %masked_sort3A_564, %masked_sort3A_568 : vector<16xf32>
    %get3A_571 = arith.constant 560 : index
    %get3A_572 = tpu.vector_load %arg5[%get3A_571] {strides = array<i32>} : memref<1024xf32, #tpu.memory_space<vmem>>, vector<16xf32>,
    %get3A_573 = arith.constant 560 : index
    %get3A_574 = tpu.vector_load %arg6[%get3A_573] {strides = array<i32>} : memref<1024xf32, #tpu.memory_space<vmem>>, vector<16xf32>,
    %sub3A_575 = arith.subf %get3A_572, %get3A_574 : vector<16xf32>
    %mul3A_576 = arith.mulf %sub3A_575, %sub3A_575 : vector<16xf32>
    %add3A_577 = arith.addf %add3A_513, %mul3A_576 : vector<16xf32>
    %masked_sort3A_578 = arith.constant dense<true> : vector<16xi1>
    %masked_sort3A_579, %masked_sort3A_580, %masked_sort3A_581 = tpu.sort %max3A_522, %max3A_522 masked %masked_sort3A_578 : (vector<16xf32>, vector<16xf32>, vector<16xi1>) -> (vector<16xi1>, vector<16xf32>, vector<16xf32>)
    %masked_sort3A_582 = arith.constant dense<true> : vector<16xi1>
    %masked_sort3A_583, %masked_sort3A_584, %masked_sort3A_585 = tpu.sort %mul3A_576, %mul3A_576 masked %masked_sort3A_582 {descending = true} : (vector<16xf32>, vector<16xf32>, vector<16xi1>) -> (vector<16xi1>, vector<16xf32>, vector<16xf32>)
    %max3A_586 = arith.maximumf %masked_sort3A_580, %masked_sort3A_584 : vector<16xf32>
    %get3A_587 = arith.constant 576 : index
    %get3A_588 = tpu.vector_load %arg5[%get3A_587] {strides = array<i32>} : memref<1024xf32, #tpu.memory_space<vmem>>, vector<16xf32>,
    %get3A_589 = arith.constant 576 : index
    %get3A_590 = tpu.vector_load %arg6[%get3A_589] {strides = array<i32>} : memref<1024xf32, #tpu.memory_space<vmem>>, vector<16xf32>,
    %sub3A_591 = arith.subf %get3A_588, %get3A_590 : vector<16xf32>
    %mul3A_592 = arith.mulf %sub3A_591, %sub3A_591 : vector<16xf32>
    %add3A_593 = arith.addf %add3A_529, %mul3A_592 : vector<16xf32>
    %masked_sort3A_594 = arith.constant dense<true> : vector<16xi1>
    %masked_sort3A_595, %masked_sort3A_596, %masked_sort3A_597 = tpu.sort %max3A_538, %max3A_538 masked %masked_sort3A_594 : (vector<16xf32>, vector<16xf32>, vector<16xi1>) -> (vector<16xi1>, vector<16xf32>, vector<16xf32>)
    %masked_sort3A_598 = arith.constant dense<true> : vector<16xi1>
    %masked_sort3A_599, %masked_sort3A_600, %masked_sort3A_601 = tpu.sort %mul3A_592, %mul3A_592 masked %masked_sort3A_598 {descending = true} : (vector<16xf32>, vector<16xf32>, vector<16xi1>) -> (vector<16xi1>, vector<16xf32>, vector<16xf32>)
    %max3A_602 = arith.maximumf %masked_sort3A_596, %masked_sort3A_600 : vector<16xf32>
    %get3A_603 = arith.constant 592 : index
    %get3A_604 = tpu.vector_load %arg5[%get3A_603] {strides = array<i32>} : memref<1024xf32, #tpu.memory_space<vmem>>, vector<16xf32>,
    %get3A_605 = arith.constant 592 : index
    %get3A_606 = tpu.vector_load %arg6[%get3A_605] {strides = array<i32>} : memref<1024xf32, #tpu.memory_space<vmem>>, vector<16xf32>,
    %sub3A_607 = arith.subf %get3A_604, %get3A_606 : vector<16xf32>
    %mul3A_608 = arith.mulf %sub3A_607, %sub3A_607 : vector<16xf32>
    %add3A_609 = arith.addf %add3A_545, %mul3A_608 : vector<16xf32>
    %masked_sort3A_610 = arith.constant dense<true> : vector<16xi1>
    %masked_sort3A_611, %masked_sort3A_612, %masked_sort3A_613 = tpu.sort %max3A_554, %max3A_554 masked %masked_sort3A_610 : (vector<16xf32>, vector<16xf32>, vector<16xi1>) -> (vector<16xi1>, vector<16xf32>, vector<16xf32>)
    %masked_sort3A_614 = arith.constant dense<true> : vector<16xi1>
    %masked_sort3A_615, %masked_sort3A_616, %masked_sort3A_617 = tpu.sort %mul3A_608, %mul3A_608 masked %masked_sort3A_614 {descending = true} : (vector<16xf32>, vector<16xf32>, vector<16xi1>) -> (vector<16xi1>, vector<16xf32>, vector<16xf32>)
    %max3A_618 = arith.maximumf %masked_sort3A_612, %masked_sort3A_616 : vector<16xf32>
    %get3A_619 = arith.constant 608 : index
    %get3A_620 = tpu.vector_load %arg5[%get3A_619] {strides = array<i32>} : memref<1024xf32, #tpu.memory_space<vmem>>, vector<16xf32>,
    %get3A_621 = arith.constant 608 : index
    %get3A_622 = tpu.vector_load %arg6[%get3A_621] {strides = array<i32>} : memref<1024xf32, #tpu.memory_space<vmem>>, vector<16xf32>,
    %sub3A_623 = arith.subf %get3A_620, %get3A_622 : vector<16xf32>
    %mul3A_624 = arith.mulf %sub3A_623, %sub3A_623 : vector<16xf32>
    %add3A_625 = arith.addf %add3A_561, %mul3A_624 : vector<16xf32>
    %masked_sort3A_626 = arith.constant dense<true> : vector<16xi1>
    %masked_sort3A_627, %masked_sort3A_628, %masked_sort3A_629 = tpu.sort %max3A_570, %max3A_570 masked %masked_sort3A_626 : (vector<16xf32>, vector<16xf32>, vector<16xi1>) -> (vector<16xi1>, vector<16xf32>, vector<16xf32>)
    %masked_sort3A_630 = arith.constant dense<true> : vector<16xi1>
    %masked_sort3A_631, %masked_sort3A_632, %masked_sort3A_633 = tpu.sort %mul3A_624, %mul3A_624 masked %masked_sort3A_630 {descending = true} : (vector<16xf32>, vector<16xf32>, vector<16xi1>) -> (vector<16xi1>, vector<16xf32>, vector<16xf32>)
    %max3A_634 = arith.maximumf %masked_sort3A_628, %masked_sort3A_632 : vector<16xf32>
    %get3A_635 = arith.constant 624 : index
    %get3A_636 = tpu.vector_load %arg5[%get3A_635] {strides = array<i32>} : memref<1024xf32, #tpu.memory_space<vmem>>, vector<16xf32>,
    %get3A_637 = arith.constant 624 : index
    %get3A_638 = tpu.vector_load %arg6[%get3A_637] {strides = array<i32>} : memref<1024xf32, #tpu.memory_space<vmem>>, vector<16xf32>,
    %sub3A_639 = arith.subf %get3A_636, %get3A_638 : vector<16xf32>
    %mul3A_640 = arith.mulf %sub3A_639, %sub3A_639 : vector<16xf32>
    %add3A_641 = arith.addf %add3A_577, %mul3A_640 : vector<16xf32>
    %masked_sort3A_642 = arith.constant dense<true> : vector<16xi1>
    %masked_sort3A_643, %masked_sort3A_644, %masked_sort3A_645 = tpu.sort %max3A_586, %max3A_586 masked %masked_sort3A_642 : (vector<16xf32>, vector<16xf32>, vector<16xi1>) -> (vector<16xi1>, vector<16xf32>, vector<16xf32>)
    %masked_sort3A_646 = arith.constant dense<true> : vector<16xi1>
    %masked_sort3A_647, %masked_sort3A_648, %masked_sort3A_649 = tpu.sort %mul3A_640, %mul3A_640 masked %masked_sort3A_646 {descending = true} : (vector<16xf32>, vector<16xf32>, vector<16xi1>) -> (vector<16xi1>, vector<16xf32>, vector<16xf32>)
    %max3A_650 = arith.maximumf %masked_sort3A_644, %masked_sort3A_648 : vector<16xf32>
    %get3A_651 = arith.constant 640 : index
    %get3A_652 = tpu.vector_load %arg5[%get3A_651] {strides = array<i32>} : memref<1024xf32, #tpu.memory_space<vmem>>, vector<16xf32>,
    %get3A_653 = arith.constant 640 : index
    %get3A_654 = tpu.vector_load %arg6[%get3A_653] {strides = array<i32>} : memref<1024xf32, #tpu.memory_space<vmem>>, vector<16xf32>,
    %sub3A_655 = arith.subf %get3A_652, %get3A_654 : vector<16xf32>
    %mul3A_656 = arith.mulf %sub3A_655, %sub3A_655 : vector<16xf32>
    %add3A_657 = arith.addf %add3A_593, %mul3A_656 : vector<16xf32>
    %masked_sort3A_658 = arith.constant dense<true> : vector<16xi1>
    %masked_sort3A_659, %masked_sort3A_660, %masked_sort3A_661 = tpu.sort %max3A_602, %max3A_602 masked %masked_sort3A_658 : (vector<16xf32>, vector<16xf32>, vector<16xi1>) -> (vector<16xi1>, vector<16xf32>, vector<16xf32>)
    %masked_sort3A_662 = arith.constant dense<true> : vector<16xi1>
    %masked_sort3A_663, %masked_sort3A_664, %masked_sort3A_665 = tpu.sort %mul3A_656, %mul3A_656 masked %masked_sort3A_662 {descending = true} : (vector<16xf32>, vector<16xf32>, vector<16xi1>) -> (vector<16xi1>, vector<16xf32>, vector<16xf32>)
    %max3A_666 = arith.maximumf %masked_sort3A_660, %masked_sort3A_664 : vector<16xf32>
    %get3A_667 = arith.constant 656 : index
    %get3A_668 = tpu.vector_load %arg5[%get3A_667] {strides = array<i32>} : memref<1024xf32, #tpu.memory_space<vmem>>, vector<16xf32>,
    %get3A_669 = arith.constant 656 : index
    %get3A_670 = tpu.vector_load %arg6[%get3A_669] {strides = array<i32>} : memref<1024xf32, #tpu.memory_space<vmem>>, vector<16xf32>,
    %sub3A_671 = arith.subf %get3A_668, %get3A_670 : vector<16xf32>
    %mul3A_672 = arith.mulf %sub3A_671, %sub3A_671 : vector<16xf32>
    %add3A_673 = arith.addf %add3A_609, %mul3A_672 : vector<16xf32>
    %masked_sort3A_674 = arith.constant dense<true> : vector<16xi1>
    %masked_sort3A_675, %masked_sort3A_676, %masked_sort3A_677 = tpu.sort %max3A_618, %max3A_618 masked %masked_sort3A_674 : (vector<16xf32>, vector<16xf32>, vector<16xi1>) -> (vector<16xi1>, vector<16xf32>, vector<16xf32>)
    %masked_sort3A_678 = arith.constant dense<true> : vector<16xi1>
    %masked_sort3A_679, %masked_sort3A_680, %masked_sort3A_681 = tpu.sort %mul3A_672, %mul3A_672 masked %masked_sort3A_678 {descending = true} : (vector<16xf32>, vector<16xf32>, vector<16xi1>) -> (vector<16xi1>, vector<16xf32>, vector<16xf32>)
    %max3A_682 = arith.maximumf %masked_sort3A_676, %masked_sort3A_680 : vector<16xf32>
    %get3A_683 = arith.constant 672 : index
    %get3A_684 = tpu.vector_load %arg5[%get3A_683] {strides = array<i32>} : memref<1024xf32, #tpu.memory_space<vmem>>, vector<16xf32>,
    %get3A_685 = arith.constant 672 : index
    %get3A_686 = tpu.vector_load %arg6[%get3A_685] {strides = array<i32>} : memref<1024xf32, #tpu.memory_space<vmem>>, vector<16xf32>,
    %sub3A_687 = arith.subf %get3A_684, %get3A_686 : vector<16xf32>
    %mul3A_688 = arith.mulf %sub3A_687, %sub3A_687 : vector<16xf32>
    %add3A_689 = arith.addf %add3A_625, %mul3A_688 : vector<16xf32>
    %masked_sort3A_690 = arith.constant dense<true> : vector<16xi1>
    %masked_sort3A_691, %masked_sort3A_692, %masked_sort3A_693 = tpu.sort %max3A_634, %max3A_634 masked %masked_sort3A_690 : (vector<16xf32>, vector<16xf32>, vector<16xi1>) -> (vector<16xi1>, vector<16xf32>, vector<16xf32>)
    %masked_sort3A_694 = arith.constant dense<true> : vector<16xi1>
    %masked_sort3A_695, %masked_sort3A_696, %masked_sort3A_697 = tpu.sort %mul3A_688, %mul3A_688 masked %masked_sort3A_694 {descending = true} : (vector<16xf32>, vector<16xf32>, vector<16xi1>) -> (vector<16xi1>, vector<16xf32>, vector<16xf32>)
    %max3A_698 = arith.maximumf %masked_sort3A_692, %masked_sort3A_696 : vector<16xf32>
    %get3A_699 = arith.constant 688 : index
    %get3A_700 = tpu.vector_load %arg5[%get3A_699] {strides = array<i32>} : memref<1024xf32, #tpu.memory_space<vmem>>, vector<16xf32>,
    %get3A_701 = arith.constant 688 : index
    %get3A_702 = tpu.vector_load %arg6[%get3A_701] {strides = array<i32>} : memref<1024xf32, #tpu.memory_space<vmem>>, vector<16xf32>,
    %sub3A_703 = arith.subf %get3A_700, %get3A_702 : vector<16xf32>
    %mul3A_704 = arith.mulf %sub3A_703, %sub3A_703 : vector<16xf32>
    %add3A_705 = arith.addf %add3A_641, %mul3A_704 : vector<16xf32>
    %masked_sort3A_706 = arith.constant dense<true> : vector<16xi1>
    %masked_sort3A_707, %masked_sort3A_708, %masked_sort3A_709 = tpu.sort %max3A_650, %max3A_650 masked %masked_sort3A_706 : (vector<16xf32>, vector<16xf32>, vector<16xi1>) -> (vector<16xi1>, vector<16xf32>, vector<16xf32>)
    %masked_sort3A_710 = arith.constant dense<true> : vector<16xi1>
    %masked_sort3A_711, %masked_sort3A_712, %masked_sort3A_713 = tpu.sort %mul3A_704, %mul3A_704 masked %masked_sort3A_710 {descending = true} : (vector<16xf32>, vector<16xf32>, vector<16xi1>) -> (vector<16xi1>, vector<16xf32>, vector<16xf32>)
    %max3A_714 = arith.maximumf %masked_sort3A_708, %masked_sort3A_712 : vector<16xf32>
    %get3A_715 = arith.constant 704 : index
    %get3A_716 = tpu.vector_load %arg5[%get3A_715] {strides = array<i32>} : memref<1024xf32, #tpu.memory_space<vmem>>, vector<16xf32>,
    %get3A_717 = arith.constant 704 : index
    %get3A_718 = tpu.vector_load %arg6[%get3A_717] {strides = array<i32>} : memref<1024xf32, #tpu.memory_space<vmem>>, vector<16xf32>,
    %sub3A_719 = arith.subf %get3A_716, %get3A_718 : vector<16xf32>
    %mul3A_720 = arith.mulf %sub3A_719, %sub3A_719 : vector<16xf32>
    %add3A_721 = arith.addf %add3A_657, %mul3A_720 : vector<16xf32>
    %masked_sort3A_722 = arith.constant dense<true> : vector<16xi1>
    %masked_sort3A_723, %masked_sort3A_724, %masked_sort3A_725 = tpu.sort %max3A_666, %max3A_666 masked %masked_sort3A_722 : (vector<16xf32>, vector<16xf32>, vector<16xi1>) -> (vector<16xi1>, vector<16xf32>, vector<16xf32>)
    %masked_sort3A_726 = arith.constant dense<true> : vector<16xi1>
    %masked_sort3A_727, %masked_sort3A_728, %masked_sort3A_729 = tpu.sort %mul3A_720, %mul3A_720 masked %masked_sort3A_726 {descending = true} : (vector<16xf32>, vector<16xf32>, vector<16xi1>) -> (vector<16xi1>, vector<16xf32>, vector<16xf32>)
    %max3A_730 = arith.maximumf %masked_sort3A_724, %masked_sort3A_728 : vector<16xf32>
    %get3A_731 = arith.constant 720 : index
    %get3A_732 = tpu.vector_load %arg5[%get3A_731] {strides = array<i32>} : memref<1024xf32, #tpu.memory_space<vmem>>, vector<16xf32>,
    %get3A_733 = arith.constant 720 : index
    %get3A_734 = tpu.vector_load %arg6[%get3A_733] {strides = array<i32>} : memref<1024xf32, #tpu.memory_space<vmem>>, vector<16xf32>,
    %sub3A_735 = arith.subf %get3A_732, %get3A_734 : vector<16xf32>
    %mul3A_736 = arith.mulf %sub3A_735, %sub3A_735 : vector<16xf32>
    %add3A_737 = arith.addf %add3A_673, %mul3A_736 : vector<16xf32>
    %masked_sort3A_738 = arith.constant dense<true> : vector<16xi1>
    %masked_sort3A_739, %masked_sort3A_740, %masked_sort3A_741 = tpu.sort %max3A_682, %max3A_682 masked %masked_sort3A_738 : (vector<16xf32>, vector<16xf32>, vector<16xi1>) -> (vector<16xi1>, vector<16xf32>, vector<16xf32>)
    %masked_sort3A_742 = arith.constant dense<true> : vector<16xi1>
    %masked_sort3A_743, %masked_sort3A_744, %masked_sort3A_745 = tpu.sort %mul3A_736, %mul3A_736 masked %masked_sort3A_742 {descending = true} : (vector<16xf32>, vector<16xf32>, vector<16xi1>) -> (vector<16xi1>, vector<16xf32>, vector<16xf32>)
    %max3A_746 = arith.maximumf %masked_sort3A_740, %masked_sort3A_744 : vector<16xf32>
    %get3A_747 = arith.constant 736 : index
    %get3A_748 = tpu.vector_load %arg5[%get3A_747] {strides = array<i32>} : memref<1024xf32, #tpu.memory_space<vmem>>, vector<16xf32>,
    %get3A_749 = arith.constant 736 : index
    %get3A_750 = tpu.vector_load %arg6[%get3A_749] {strides = array<i32>} : memref<1024xf32, #tpu.memory_space<vmem>>, vector<16xf32>,
    %sub3A_751 = arith.subf %get3A_748, %get3A_750 : vector<16xf32>
    %mul3A_752 = arith.mulf %sub3A_751, %sub3A_751 : vector<16xf32>
    %add3A_753 = arith.addf %add3A_689, %mul3A_752 : vector<16xf32>
    %masked_sort3A_754 = arith.constant dense<true> : vector<16xi1>
    %masked_sort3A_755, %masked_sort3A_756, %masked_sort3A_757 = tpu.sort %max3A_698, %max3A_698 masked %masked_sort3A_754 : (vector<16xf32>, vector<16xf32>, vector<16xi1>) -> (vector<16xi1>, vector<16xf32>, vector<16xf32>)
    %masked_sort3A_758 = arith.constant dense<true> : vector<16xi1>
    %masked_sort3A_759, %masked_sort3A_760, %masked_sort3A_761 = tpu.sort %mul3A_752, %mul3A_752 masked %masked_sort3A_758 {descending = true} : (vector<16xf32>, vector<16xf32>, vector<16xi1>) -> (vector<16xi1>, vector<16xf32>, vector<16xf32>)
    %max3A_762 = arith.maximumf %masked_sort3A_756, %masked_sort3A_760 : vector<16xf32>
    %get3A_763 = arith.constant 752 : index
    %get3A_764 = tpu.vector_load %arg5[%get3A_763] {strides = array<i32>} : memref<1024xf32, #tpu.memory_space<vmem>>, vector<16xf32>,
    %get3A_765 = arith.constant 752 : index
    %get3A_766 = tpu.vector_load %arg6[%get3A_765] {strides = array<i32>} : memref<1024xf32, #tpu.memory_space<vmem>>, vector<16xf32>,
    %sub3A_767 = arith.subf %get3A_764, %get3A_766 : vector<16xf32>
    %mul3A_768 = arith.mulf %sub3A_767, %sub3A_767 : vector<16xf32>
    %add3A_769 = arith.addf %add3A_705, %mul3A_768 : vector<16xf32>
    %masked_sort3A_770 = arith.constant dense<true> : vector<16xi1>
    %masked_sort3A_771, %masked_sort3A_772, %masked_sort3A_773 = tpu.sort %max3A_714, %max3A_714 masked %masked_sort3A_770 : (vector<16xf32>, vector<16xf32>, vector<16xi1>) -> (vector<16xi1>, vector<16xf32>, vector<16xf32>)
    %masked_sort3A_774 = arith.constant dense<true> : vector<16xi1>
    %masked_sort3A_775, %masked_sort3A_776, %masked_sort3A_777 = tpu.sort %mul3A_768, %mul3A_768 masked %masked_sort3A_774 {descending = true} : (vector<16xf32>, vector<16xf32>, vector<16xi1>) -> (vector<16xi1>, vector<16xf32>, vector<16xf32>)
    %max3A_778 = arith.maximumf %masked_sort3A_772, %masked_sort3A_776 : vector<16xf32>
    %get3A_779 = arith.constant 768 : index
    %get3A_780 = tpu.vector_load %arg5[%get3A_779] {strides = array<i32>} : memref<1024xf32, #tpu.memory_space<vmem>>, vector<16xf32>,
    %get3A_781 = arith.constant 768 : index
    %get3A_782 = tpu.vector_load %arg6[%get3A_781] {strides = array<i32>} : memref<1024xf32, #tpu.memory_space<vmem>>, vector<16xf32>,
    %sub3A_783 = arith.subf %get3A_780, %get3A_782 : vector<16xf32>
    %mul3A_784 = arith.mulf %sub3A_783, %sub3A_783 : vector<16xf32>
    %add3A_785 = arith.addf %add3A_721, %mul3A_784 : vector<16xf32>
    %masked_sort3A_786 = arith.constant dense<true> : vector<16xi1>
    %masked_sort3A_787, %masked_sort3A_788, %masked_sort3A_789 = tpu.sort %max3A_730, %max3A_730 masked %masked_sort3A_786 : (vector<16xf32>, vector<16xf32>, vector<16xi1>) -> (vector<16xi1>, vector<16xf32>, vector<16xf32>)
    %masked_sort3A_790 = arith.constant dense<true> : vector<16xi1>
    %masked_sort3A_791, %masked_sort3A_792, %masked_sort3A_793 = tpu.sort %mul3A_784, %mul3A_784 masked %masked_sort3A_790 {descending = true} : (vector<16xf32>, vector<16xf32>, vector<16xi1>) -> (vector<16xi1>, vector<16xf32>, vector<16xf32>)
    %max3A_794 = arith.maximumf %masked_sort3A_788, %masked_sort3A_792 : vector<16xf32>
    %get3A_795 = arith.constant 784 : index
    %get3A_796 = tpu.vector_load %arg5[%get3A_795] {strides = array<i32>} : memref<1024xf32, #tpu.memory_space<vmem>>, vector<16xf32>,
    %get3A_797 = arith.constant 784 : index
    %get3A_798 = tpu.vector_load %arg6[%get3A_797] {strides = array<i32>} : memref<1024xf32, #tpu.memory_space<vmem>>, vector<16xf32>,
    %sub3A_799 = arith.subf %get3A_796, %get3A_798 : vector<16xf32>
    %mul3A_800 = arith.mulf %sub3A_799, %sub3A_799 : vector<16xf32>
    %add3A_801 = arith.addf %add3A_737, %mul3A_800 : vector<16xf32>
    %masked_sort3A_802 = arith.constant dense<true> : vector<16xi1>
    %masked_sort3A_803, %masked_sort3A_804, %masked_sort3A_805 = tpu.sort %max3A_746, %max3A_746 masked %masked_sort3A_802 : (vector<16xf32>, vector<16xf32>, vector<16xi1>) -> (vector<16xi1>, vector<16xf32>, vector<16xf32>)
    %masked_sort3A_806 = arith.constant dense<true> : vector<16xi1>
    %masked_sort3A_807, %masked_sort3A_808, %masked_sort3A_809 = tpu.sort %mul3A_800, %mul3A_800 masked %masked_sort3A_806 {descending = true} : (vector<16xf32>, vector<16xf32>, vector<16xi1>) -> (vector<16xi1>, vector<16xf32>, vector<16xf32>)
    %max3A_810 = arith.maximumf %masked_sort3A_804, %masked_sort3A_808 : vector<16xf32>
    %get3A_811 = arith.constant 800 : index
    %get3A_812 = tpu.vector_load %arg5[%get3A_811] {strides = array<i32>} : memref<1024xf32, #tpu.memory_space<vmem>>, vector<16xf32>,
    %get3A_813 = arith.constant 800 : index
    %get3A_814 = tpu.vector_load %arg6[%get3A_813] {strides = array<i32>} : memref<1024xf32, #tpu.memory_space<vmem>>, vector<16xf32>,
    %sub3A_815 = arith.subf %get3A_812, %get3A_814 : vector<16xf32>
    %mul3A_816 = arith.mulf %sub3A_815, %sub3A_815 : vector<16xf32>
    %add3A_817 = arith.addf %add3A_753, %mul3A_816 : vector<16xf32>
    %masked_sort3A_818 = arith.constant dense<true> : vector<16xi1>
    %masked_sort3A_819, %masked_sort3A_820, %masked_sort3A_821 = tpu.sort %max3A_762, %max3A_762 masked %masked_sort3A_818 : (vector<16xf32>, vector<16xf32>, vector<16xi1>) -> (vector<16xi1>, vector<16xf32>, vector<16xf32>)
    %masked_sort3A_822 = arith.constant dense<true> : vector<16xi1>
    %masked_sort3A_823, %masked_sort3A_824, %masked_sort3A_825 = tpu.sort %mul3A_816, %mul3A_816 masked %masked_sort3A_822 {descending = true} : (vector<16xf32>, vector<16xf32>, vector<16xi1>) -> (vector<16xi1>, vector<16xf32>, vector<16xf32>)
    %max3A_826 = arith.maximumf %masked_sort3A_820, %masked_sort3A_824 : vector<16xf32>
    %get3A_827 = arith.constant 816 : index
    %get3A_828 = tpu.vector_load %arg5[%get3A_827] {strides = array<i32>} : memref<1024xf32, #tpu.memory_space<vmem>>, vector<16xf32>,
    %get3A_829 = arith.constant 816 : index
    %get3A_830 = tpu.vector_load %arg6[%get3A_829] {strides = array<i32>} : memref<1024xf32, #tpu.memory_space<vmem>>, vector<16xf32>,
    %sub3A_831 = arith.subf %get3A_828, %get3A_830 : vector<16xf32>
    %mul3A_832 = arith.mulf %sub3A_831, %sub3A_831 : vector<16xf32>
    %add3A_833 = arith.addf %add3A_769, %mul3A_832 : vector<16xf32>
    %masked_sort3A_834 = arith.constant dense<true> : vector<16xi1>
    %masked_sort3A_835, %masked_sort3A_836, %masked_sort3A_837 = tpu.sort %max3A_778, %max3A_778 masked %masked_sort3A_834 : (vector<16xf32>, vector<16xf32>, vector<16xi1>) -> (vector<16xi1>, vector<16xf32>, vector<16xf32>)
    %masked_sort3A_838 = arith.constant dense<true> : vector<16xi1>
    %masked_sort3A_839, %masked_sort3A_840, %masked_sort3A_841 = tpu.sort %mul3A_832, %mul3A_832 masked %masked_sort3A_838 {descending = true} : (vector<16xf32>, vector<16xf32>, vector<16xi1>) -> (vector<16xi1>, vector<16xf32>, vector<16xf32>)
    %max3A_842 = arith.maximumf %masked_sort3A_836, %masked_sort3A_840 : vector<16xf32>
    %get3A_843 = arith.constant 832 : index
    %get3A_844 = tpu.vector_load %arg5[%get3A_843] {strides = array<i32>} : memref<1024xf32, #tpu.memory_space<vmem>>, vector<16xf32>,
    %get3A_845 = arith.constant 832 : index
    %get3A_846 = tpu.vector_load %arg6[%get3A_845] {strides = array<i32>} : memref<1024xf32, #tpu.memory_space<vmem>>, vector<16xf32>,
    %sub3A_847 = arith.subf %get3A_844, %get3A_846 : vector<16xf32>
    %mul3A_848 = arith.mulf %sub3A_847, %sub3A_847 : vector<16xf32>
    %add3A_849 = arith.addf %add3A_785, %mul3A_848 : vector<16xf32>
    %masked_sort3A_850 = arith.constant dense<true> : vector<16xi1>
    %masked_sort3A_851, %masked_sort3A_852, %masked_sort3A_853 = tpu.sort %max3A_794, %max3A_794 masked %masked_sort3A_850 : (vector<16xf32>, vector<16xf32>, vector<16xi1>) -> (vector<16xi1>, vector<16xf32>, vector<16xf32>)
    %masked_sort3A_854 = arith.constant dense<true> : vector<16xi1>
    %masked_sort3A_855, %masked_sort3A_856, %masked_sort3A_857 = tpu.sort %mul3A_848, %mul3A_848 masked %masked_sort3A_854 {descending = true} : (vector<16xf32>, vector<16xf32>, vector<16xi1>) -> (vector<16xi1>, vector<16xf32>, vector<16xf32>)
    %max3A_858 = arith.maximumf %masked_sort3A_852, %masked_sort3A_856 : vector<16xf32>
    %get3A_859 = arith.constant 848 : index
    %get3A_860 = tpu.vector_load %arg5[%get3A_859] {strides = array<i32>} : memref<1024xf32, #tpu.memory_space<vmem>>, vector<16xf32>,
    %get3A_861 = arith.constant 848 : index
    %get3A_862 = tpu.vector_load %arg6[%get3A_861] {strides = array<i32>} : memref<1024xf32, #tpu.memory_space<vmem>>, vector<16xf32>,
    %sub3A_863 = arith.subf %get3A_860, %get3A_862 : vector<16xf32>
    %mul3A_864 = arith.mulf %sub3A_863, %sub3A_863 : vector<16xf32>
    %add3A_865 = arith.addf %add3A_801, %mul3A_864 : vector<16xf32>
    %masked_sort3A_866 = arith.constant dense<true> : vector<16xi1>
    %masked_sort3A_867, %masked_sort3A_868, %masked_sort3A_869 = tpu.sort %max3A_810, %max3A_810 masked %masked_sort3A_866 : (vector<16xf32>, vector<16xf32>, vector<16xi1>) -> (vector<16xi1>, vector<16xf32>, vector<16xf32>)
    %masked_sort3A_870 = arith.constant dense<true> : vector<16xi1>
    %masked_sort3A_871, %masked_sort3A_872, %masked_sort3A_873 = tpu.sort %mul3A_864, %mul3A_864 masked %masked_sort3A_870 {descending = true} : (vector<16xf32>, vector<16xf32>, vector<16xi1>) -> (vector<16xi1>, vector<16xf32>, vector<16xf32>)
    %max3A_874 = arith.maximumf %masked_sort3A_868, %masked_sort3A_872 : vector<16xf32>
    %get3A_875 = arith.constant 864 : index
    %get3A_876 = tpu.vector_load %arg5[%get3A_875] {strides = array<i32>} : memref<1024xf32, #tpu.memory_space<vmem>>, vector<16xf32>,
    %get3A_877 = arith.constant 864 : index
    %get3A_878 = tpu.vector_load %arg6[%get3A_877] {strides = array<i32>} : memref<1024xf32, #tpu.memory_space<vmem>>, vector<16xf32>,
    %sub3A_879 = arith.subf %get3A_876, %get3A_878 : vector<16xf32>
    %mul3A_880 = arith.mulf %sub3A_879, %sub3A_879 : vector<16xf32>
    %add3A_881 = arith.addf %add3A_817, %mul3A_880 : vector<16xf32>
    %masked_sort3A_882 = arith.constant dense<true> : vector<16xi1>
    %masked_sort3A_883, %masked_sort3A_884, %masked_sort3A_885 = tpu.sort %max3A_826, %max3A_826 masked %masked_sort3A_882 : (vector<16xf32>, vector<16xf32>, vector<16xi1>) -> (vector<16xi1>, vector<16xf32>, vector<16xf32>)
    %masked_sort3A_886 = arith.constant dense<true> : vector<16xi1>
    %masked_sort3A_887, %masked_sort3A_888, %masked_sort3A_889 = tpu.sort %mul3A_880, %mul3A_880 masked %masked_sort3A_886 {descending = true} : (vector<16xf32>, vector<16xf32>, vector<16xi1>) -> (vector<16xi1>, vector<16xf32>, vector<16xf32>)
    %max3A_890 = arith.maximumf %masked_sort3A_884, %masked_sort3A_888 : vector<16xf32>
    %get3A_891 = arith.constant 880 : index
    %get3A_892 = tpu.vector_load %arg5[%get3A_891] {strides = array<i32>} : memref<1024xf32, #tpu.memory_space<vmem>>, vector<16xf32>,
    %get3A_893 = arith.constant 880 : index
    %get3A_894 = tpu.vector_load %arg6[%get3A_893] {strides = array<i32>} : memref<1024xf32, #tpu.memory_space<vmem>>, vector<16xf32>,
    %sub3A_895 = arith.subf %get3A_892, %get3A_894 : vector<16xf32>
    %mul3A_896 = arith.mulf %sub3A_895, %sub3A_895 : vector<16xf32>
    %add3A_897 = arith.addf %add3A_833, %mul3A_896 : vector<16xf32>
    %masked_sort3A_898 = arith.constant dense<true> : vector<16xi1>
    %masked_sort3A_899, %masked_sort3A_900, %masked_sort3A_901 = tpu.sort %max3A_842, %max3A_842 masked %masked_sort3A_898 : (vector<16xf32>, vector<16xf32>, vector<16xi1>) -> (vector<16xi1>, vector<16xf32>, vector<16xf32>)
    %masked_sort3A_902 = arith.constant dense<true> : vector<16xi1>
    %masked_sort3A_903, %masked_sort3A_904, %masked_sort3A_905 = tpu.sort %mul3A_896, %mul3A_896 masked %masked_sort3A_902 {descending = true} : (vector<16xf32>, vector<16xf32>, vector<16xi1>) -> (vector<16xi1>, vector<16xf32>, vector<16xf32>)
    %max3A_906 = arith.maximumf %masked_sort3A_900, %masked_sort3A_904 : vector<16xf32>
    %get3A_907 = arith.constant 896 : index
    %get3A_908 = tpu.vector_load %arg5[%get3A_907] {strides = array<i32>} : memref<1024xf32, #tpu.memory_space<vmem>>, vector<16xf32>,
    %get3A_909 = arith.constant 896 : index
    %get3A_910 = tpu.vector_load %arg6[%get3A_909] {strides = array<i32>} : memref<1024xf32, #tpu.memory_space<vmem>>, vector<16xf32>,
    %sub3A_911 = arith.subf %get3A_908, %get3A_910 : vector<16xf32>
    %mul3A_912 = arith.mulf %sub3A_911, %sub3A_911 : vector<16xf32>
    %add3A_913 = arith.addf %add3A_849, %mul3A_912 : vector<16xf32>
    %masked_sort3A_914 = arith.constant dense<true> : vector<16xi1>
    %masked_sort3A_915, %masked_sort3A_916, %masked_sort3A_917 = tpu.sort %max3A_858, %max3A_858 masked %masked_sort3A_914 : (vector<16xf32>, vector<16xf32>, vector<16xi1>) -> (vector<16xi1>, vector<16xf32>, vector<16xf32>)
    %masked_sort3A_918 = arith.constant dense<true> : vector<16xi1>
    %masked_sort3A_919, %masked_sort3A_920, %masked_sort3A_921 = tpu.sort %mul3A_912, %mul3A_912 masked %masked_sort3A_918 {descending = true} : (vector<16xf32>, vector<16xf32>, vector<16xi1>) -> (vector<16xi1>, vector<16xf32>, vector<16xf32>)
    %max3A_922 = arith.maximumf %masked_sort3A_916, %masked_sort3A_920 : vector<16xf32>
    %get3A_923 = arith.constant 912 : index
    %get3A_924 = tpu.vector_load %arg5[%get3A_923] {strides = array<i32>} : memref<1024xf32, #tpu.memory_space<vmem>>, vector<16xf32>,
    %get3A_925 = arith.constant 912 : index
    %get3A_926 = tpu.vector_load %arg6[%get3A_925] {strides = array<i32>} : memref<1024xf32, #tpu.memory_space<vmem>>, vector<16xf32>,
    %sub3A_927 = arith.subf %get3A_924, %get3A_926 : vector<16xf32>
    %mul3A_928 = arith.mulf %sub3A_927, %sub3A_927 : vector<16xf32>
    %add3A_929 = arith.addf %add3A_865, %mul3A_928 : vector<16xf32>
    %masked_sort3A_930 = arith.constant dense<true> : vector<16xi1>
    %masked_sort3A_931, %masked_sort3A_932, %masked_sort3A_933 = tpu.sort %max3A_874, %max3A_874 masked %masked_sort3A_930 : (vector<16xf32>, vector<16xf32>, vector<16xi1>) -> (vector<16xi1>, vector<16xf32>, vector<16xf32>)
    %masked_sort3A_934 = arith.constant dense<true> : vector<16xi1>
    %masked_sort3A_935, %masked_sort3A_936, %masked_sort3A_937 = tpu.sort %mul3A_928, %mul3A_928 masked %masked_sort3A_934 {descending = true} : (vector<16xf32>, vector<16xf32>, vector<16xi1>) -> (vector<16xi1>, vector<16xf32>, vector<16xf32>)
    %max3A_938 = arith.maximumf %masked_sort3A_932, %masked_sort3A_936 : vector<16xf32>
    %get3A_939 = arith.constant 928 : index
    %get3A_940 = tpu.vector_load %arg5[%get3A_939] {strides = array<i32>} : memref<1024xf32, #tpu.memory_space<vmem>>, vector<16xf32>,
    %get3A_941 = arith.constant 928 : index
    %get3A_942 = tpu.vector_load %arg6[%get3A_941] {strides = array<i32>} : memref<1024xf32, #tpu.memory_space<vmem>>, vector<16xf32>,
    %sub3A_943 = arith.subf %get3A_940, %get3A_942 : vector<16xf32>
    %mul3A_944 = arith.mulf %sub3A_943, %sub3A_943 : vector<16xf32>
    %add3A_945 = arith.addf %add3A_881, %mul3A_944 : vector<16xf32>
    %masked_sort3A_946 = arith.constant dense<true> : vector<16xi1>
    %masked_sort3A_947, %masked_sort3A_948, %masked_sort3A_949 = tpu.sort %max3A_890, %max3A_890 masked %masked_sort3A_946 : (vector<16xf32>, vector<16xf32>, vector<16xi1>) -> (vector<16xi1>, vector<16xf32>, vector<16xf32>)
    %masked_sort3A_950 = arith.constant dense<true> : vector<16xi1>
    %masked_sort3A_951, %masked_sort3A_952, %masked_sort3A_953 = tpu.sort %mul3A_944, %mul3A_944 masked %masked_sort3A_950 {descending = true} : (vector<16xf32>, vector<16xf32>, vector<16xi1>) -> (vector<16xi1>, vector<16xf32>, vector<16xf32>)
    %max3A_954 = arith.maximumf %masked_sort3A_948, %masked_sort3A_952 : vector<16xf32>
    %get3A_955 = arith.constant 944 : index
    %get3A_956 = tpu.vector_load %arg5[%get3A_955] {strides = array<i32>} : memref<1024xf32, #tpu.memory_space<vmem>>, vector<16xf32>,
    %get3A_957 = arith.constant 944 : index
    %get3A_958 = tpu.vector_load %arg6[%get3A_957] {strides = array<i32>} : memref<1024xf32, #tpu.memory_space<vmem>>, vector<16xf32>,
    %sub3A_959 = arith.subf %get3A_956, %get3A_958 : vector<16xf32>
    %mul3A_960 = arith.mulf %sub3A_959, %sub3A_959 : vector<16xf32>
    %add3A_961 = arith.addf %add3A_897, %mul3A_960 : vector<16xf32>
    %masked_sort3A_962 = arith.constant dense<true> : vector<16xi1>
    %masked_sort3A_963, %masked_sort3A_964, %masked_sort3A_965 = tpu.sort %max3A_906, %max3A_906 masked %masked_sort3A_962 : (vector<16xf32>, vector<16xf32>, vector<16xi1>) -> (vector<16xi1>, vector<16xf32>, vector<16xf32>)
    %masked_sort3A_966 = arith.constant dense<true> : vector<16xi1>
    %masked_sort3A_967, %masked_sort3A_968, %masked_sort3A_969 = tpu.sort %mul3A_960, %mul3A_960 masked %masked_sort3A_966 {descending = true} : (vector<16xf32>, vector<16xf32>, vector<16xi1>) -> (vector<16xi1>, vector<16xf32>, vector<16xf32>)
    %max3A_970 = arith.maximumf %masked_sort3A_964, %masked_sort3A_968 : vector<16xf32>
    %get3A_971 = arith.constant 960 : index
    %get3A_972 = tpu.vector_load %arg5[%get3A_971] {strides = array<i32>} : memref<1024xf32, #tpu.memory_space<vmem>>, vector<16xf32>,
    %get3A_973 = arith.constant 960 : index
    %get3A_974 = tpu.vector_load %arg6[%get3A_973] {strides = array<i32>} : memref<1024xf32, #tpu.memory_space<vmem>>, vector<16xf32>,
    %sub3A_975 = arith.subf %get3A_972, %get3A_974 : vector<16xf32>
    %mul3A_976 = arith.mulf %sub3A_975, %sub3A_975 : vector<16xf32>
    %add3A_977 = arith.addf %add3A_913, %mul3A_976 : vector<16xf32>
    %masked_sort3A_978 = arith.constant dense<true> : vector<16xi1>
    %masked_sort3A_979, %masked_sort3A_980, %masked_sort3A_981 = tpu.sort %max3A_922, %max3A_922 masked %masked_sort3A_978 : (vector<16xf32>, vector<16xf32>, vector<16xi1>) -> (vector<16xi1>, vector<16xf32>, vector<16xf32>)
    %masked_sort3A_982 = arith.constant dense<true> : vector<16xi1>
    %masked_sort3A_983, %masked_sort3A_984, %masked_sort3A_985 = tpu.sort %mul3A_976, %mul3A_976 masked %masked_sort3A_982 {descending = true} : (vector<16xf32>, vector<16xf32>, vector<16xi1>) -> (vector<16xi1>, vector<16xf32>, vector<16xf32>)
    %max3A_986 = arith.maximumf %masked_sort3A_980, %masked_sort3A_984 : vector<16xf32>
    %get3A_987 = arith.constant 976 : index
    %get3A_988 = tpu.vector_load %arg5[%get3A_987] {strides = array<i32>} : memref<1024xf32, #tpu.memory_space<vmem>>, vector<16xf32>,
    %get3A_989 = arith.constant 976 : index
    %get3A_990 = tpu.vector_load %arg6[%get3A_989] {strides = array<i32>} : memref<1024xf32, #tpu.memory_space<vmem>>, vector<16xf32>,
    %sub3A_991 = arith.subf %get3A_988, %get3A_990 : vector<16xf32>
    %mul3A_992 = arith.mulf %sub3A_991, %sub3A_991 : vector<16xf32>
    %add3A_993 = arith.addf %add3A_929, %mul3A_992 : vector<16xf32>
    %masked_sort3A_994 = arith.constant dense<true> : vector<16xi1>
    %masked_sort3A_995, %masked_sort3A_996, %masked_sort3A_997 = tpu.sort %max3A_938, %max3A_938 masked %masked_sort3A_994 : (vector<16xf32>, vector<16xf32>, vector<16xi1>) -> (vector<16xi1>, vector<16xf32>, vector<16xf32>)
    %masked_sort3A_998 = arith.constant dense<true> : vector<16xi1>
    %masked_sort3A_999, %masked_sort3A_1000, %masked_sort3A_1001 = tpu.sort %mul3A_992, %mul3A_992 masked %masked_sort3A_998 {descending = true} : (vector<16xf32>, vector<16xf32>, vector<16xi1>) -> (vector<16xi1>, vector<16xf32>, vector<16xf32>)
    %max3A_1002 = arith.maximumf %masked_sort3A_996, %masked_sort3A_1000 : vector<16xf32>
    %get3A_1003 = arith.constant 992 : index
    %get3A_1004 = tpu.vector_load %arg5[%get3A_1003] {strides = array<i32>} : memref<1024xf32, #tpu.memory_space<vmem>>, vector<16xf32>,
    %get3A_1005 = arith.constant 992 : index
    %get3A_1006 = tpu.vector_load %arg6[%get3A_1005] {strides = array<i32>} : memref<1024xf32, #tpu.memory_space<vmem>>, vector<16xf32>,
    %sub3A_1007 = arith.subf %get3A_1004, %get3A_1006 : vector<16xf32>
    %mul3A_1008 = arith.mulf %sub3A_1007, %sub3A_1007 : vector<16xf32>
    %add3A_1009 = arith.addf %add3A_945, %mul3A_1008 : vector<16xf32>
    %masked_sort3A_1010 = arith.constant dense<true> : vector<16xi1>
    %masked_sort3A_1011, %masked_sort3A_1012, %masked_sort3A_1013 = tpu.sort %max3A_954, %max3A_954 masked %masked_sort3A_1010 : (vector<16xf32>, vector<16xf32>, vector<16xi1>) -> (vector<16xi1>, vector<16xf32>, vector<16xf32>)
    %masked_sort3A_1014 = arith.constant dense<true> : vector<16xi1>
    %masked_sort3A_1015, %masked_sort3A_1016, %masked_sort3A_1017 = tpu.sort %mul3A_1008, %mul3A_1008 masked %masked_sort3A_1014 {descending = true} : (vector<16xf32>, vector<16xf32>, vector<16xi1>) -> (vector<16xi1>, vector<16xf32>, vector<16xf32>)
    %max3A_1018 = arith.maximumf %masked_sort3A_1012, %masked_sort3A_1016 : vector<16xf32>
    %get3A_1019 = arith.constant 1008 : index
    %get3A_1020 = tpu.vector_load %arg5[%get3A_1019] {strides = array<i32>} : memref<1024xf32, #tpu.memory_space<vmem>>, vector<16xf32>,
    %get3A_1021 = arith.constant 1008 : index
    %get3A_1022 = tpu.vector_load %arg6[%get3A_1021] {strides = array<i32>} : memref<1024xf32, #tpu.memory_space<vmem>>, vector<16xf32>,
    %sub3A_1023 = arith.subf %get3A_1020, %get3A_1022 : vector<16xf32>
    %mul3A_1024 = arith.mulf %sub3A_1023, %sub3A_1023 : vector<16xf32>
    %add3A_1025 = arith.addf %add3A_961, %mul3A_1024 : vector<16xf32>
    %masked_sort3A_1026 = arith.constant dense<true> : vector<16xi1>
    %masked_sort3A_1027, %masked_sort3A_1028, %masked_sort3A_1029 = tpu.sort %max3A_970, %max3A_970 masked %masked_sort3A_1026 : (vector<16xf32>, vector<16xf32>, vector<16xi1>) -> (vector<16xi1>, vector<16xf32>, vector<16xf32>)
    %masked_sort3A_1030 = arith.constant dense<true> : vector<16xi1>
    %masked_sort3A_1031, %masked_sort3A_1032, %masked_sort3A_1033 = tpu.sort %mul3A_1024, %mul3A_1024 masked %masked_sort3A_1030 {descending = true} : (vector<16xf32>, vector<16xf32>, vector<16xi1>) -> (vector<16xi1>, vector<16xf32>, vector<16xf32>)
    %max3A_1034 = arith.maximumf %masked_sort3A_1028, %masked_sort3A_1032 : vector<16xf32>
    %add3A_1035 = arith.addf %add3A_977, %add3A_993 : vector<16xf32>
    %add3A_1036 = arith.addf %add3A_1009, %add3A_1025 : vector<16xf32>
    %add3A_1037 = arith.addf %add3A_1035, %add3A_1036 : vector<16xf32>
    %masked_sort3A_1038 = arith.constant dense<true> : vector<16xi1>
    %masked_sort3A_1039, %masked_sort3A_1040, %masked_sort3A_1041 = tpu.sort %max3A_986, %max3A_986 masked %masked_sort3A_1038 : (vector<16xf32>, vector<16xf32>, vector<16xi1>) -> (vector<16xi1>, vector<16xf32>, vector<16xf32>)
    %masked_sort3A_1042 = arith.constant dense<true> : vector<16xi1>
    %masked_sort3A_1043, %masked_sort3A_1044, %masked_sort3A_1045 = tpu.sort %max3A_1002, %max3A_1002 masked %masked_sort3A_1042 {descending = true} : (vector<16xf32>, vector<16xf32>, vector<16xi1>) -> (vector<16xi1>, vector<16xf32>, vector<16xf32>)
    %max3A_1046 = arith.maximumf %masked_sort3A_1040, %masked_sort3A_1044 : vector<16xf32>
    %masked_sort3A_1047 = arith.constant dense<true> : vector<16xi1>
    %masked_sort3A_1048, %masked_sort3A_1049, %masked_sort3A_1050 = tpu.sort %max3A_1018, %max3A_1018 masked %masked_sort3A_1047 : (vector<16xf32>, vector<16xf32>, vector<16xi1>) -> (vector<16xi1>, vector<16xf32>, vector<16xf32>)
    %masked_sort3A_1051 = arith.constant dense<true> : vector<16xi1>
    %masked_sort3A_1052, %masked_sort3A_1053, %masked_sort3A_1054 = tpu.sort %max3A_1034, %max3A_1034 masked %masked_sort3A_1051 {descending = true} : (vector<16xf32>, vector<16xf32>, vector<16xi1>) -> (vector<16xi1>, vector<16xf32>, vector<16xf32>)
    %max3A_1055 = arith.maximumf %masked_sort3A_1049, %masked_sort3A_1053 : vector<16xf32>
    %masked_sort3A_1056 = arith.constant dense<true> : vector<16xi1>
    %masked_sort3A_1057, %masked_sort3A_1058, %masked_sort3A_1059 = tpu.sort %max3A_1046, %max3A_1046 masked %masked_sort3A_1056 : (vector<16xf32>, vector<16xf32>, vector<16xi1>) -> (vector<16xi1>, vector<16xf32>, vector<16xf32>)
    %masked_sort3A_1060 = arith.constant dense<true> : vector<16xi1>
    %masked_sort3A_1061, %masked_sort3A_1062, %masked_sort3A_1063 = tpu.sort %max3A_1055, %max3A_1055 masked %masked_sort3A_1060 {descending = true} : (vector<16xf32>, vector<16xf32>, vector<16xi1>) -> (vector<16xi1>, vector<16xf32>, vector<16xf32>)
    %max3A_1064 = arith.maximumf %masked_sort3A_1058, %masked_sort3A_1062 : vector<16xf32>
    %swap3A = arith.constant 0 : index
    %swap3A_1065 = tpu.vector_load %arg7[%swap3A] {strides = array<i32>} : memref<32xf32, #tpu.memory_space<vmem>>, vector<16xf32>,
    tpu.vector_store %arg7[%swap3A], %max3A_1064 {strides = array<i32>} : memref<32xf32, #tpu.memory_space<vmem>>, vector<16xf32>,
    %swap3A_1066 = arith.constant 16 : index
    %swap3A_1067 = tpu.vector_load %arg7[%swap3A_1066] {strides = array<i32>} : memref<32xf32, #tpu.memory_space<vmem>>, vector<16xf32>,
    tpu.vector_store %arg7[%swap3A_1066], %add3A_1037 {strides = array<i32>} : memref<32xf32, #tpu.memory_space<vmem>>, vector<16xf32>,
    %mul3A_1068 = arith.constant 32 : i32
    %mul3A_1069 = arith.muli %arg1, %mul3A_1068 : i32
    "tpu.region"() ({
      %run_scoped3A = tpu.sem_alloc : memref<!tpu.dma_semaphore, #tpu.memory_space<semaphore_mem>>
      %dma_start3A_1072 = tpu.memref_slice %arg8[%mul3A_1069] : memref<512xf32, #tpu.memory_space<vmem_shared>> -> memref<32xf32, #tpu.memory_space<vmem_shared>>
      %dma_start3A_1073 = tpu.memref_slice %arg8[%mul3A_1069] : memref<512xf32, #tpu.memory_space<vmem_shared>> -> memref<32xf32, #tpu.memory_space<vmem_shared>>
      tpu.enqueue_dma source(%arg7 : memref<32xf32, #tpu.memory_space<vmem>>) target(%dma_start3A_1073 : memref<32xf32, #tpu.memory_space<vmem_shared>>) target_semaphore(%run_scoped3A : memref<!tpu.dma_semaphore, #tpu.memory_space<semaphore_mem>>)
      %dma_wait3A_1074 = tpu.memref_slice %arg8[%mul3A_1069] : memref<512xf32, #tpu.memory_space<vmem_shared>> -> memref<32xf32, #tpu.memory_space<vmem_shared>>
      %dma_wait3A_1075 = tpu.memref_slice %arg8[%mul3A_1069] : memref<512xf32, #tpu.memory_space<vmem_shared>> -> memref<32xf32, #tpu.memory_space<vmem_shared>>
      tpu.wait_dma2 semaphore(%run_scoped3A : memref<!tpu.dma_semaphore, #tpu.memory_space<semaphore_mem>>) src(%arg7 : memref<32xf32, #tpu.memory_space<vmem>>) dst(%dma_wait3A_1075 : memref<32xf32, #tpu.memory_space<vmem_shared>>)
      tpu.yield
    }) : () -> ()
    %barrier3A = arith.constant 0 : index
    tpu.barrier barrier_id(%barrier3A)
    %eq3A = arith.constant 0 : i32
    %eq3A_1070 = arith.cmpi eq, %arg1, %eq3A : i32
    %convert_element_type3A = arith.extui %eq3A_1070 : i1 to i32
    %cond3A = arith.constant 0 : i32
    %cond3A_1071 = arith.cmpi ne, %convert_element_type3A, %cond3A : i32
    scf.if %cond3A_1071 {
      "tpu.region"() ({
        %run_scoped3A = tpu.sem_alloc : memref<!tpu.dma_semaphore, #tpu.memory_space<semaphore_mem>>
        tpu.enqueue_dma source(%arg8 : memref<512xf32, #tpu.memory_space<vmem_shared>>) target(%arg9 : memref<512xf32, #tpu.memory_space<vmem>>) target_semaphore(%run_scoped3A : memref<!tpu.dma_semaphore, #tpu.memory_space<semaphore_mem>>)
        tpu.wait_dma2 semaphore(%run_scoped3A : memref<!tpu.dma_semaphore, #tpu.memory_space<semaphore_mem>>) src(%arg8 : memref<512xf32, #tpu.memory_space<vmem_shared>>) dst(%arg9 : memref<512xf32, #tpu.memory_space<vmem>>)
        tpu.yield
      }) : () -> ()
      %get3A_1072 = arith.constant 0 : index
      %get3A_1073 = tpu.vector_load %arg9[%get3A_1072] {strides = array<i32>} : memref<512xf32, #tpu.memory_space<vmem>>, vector<16xf32>,
      %get3A_1074 = arith.constant 32 : index
      %get3A_1075 = tpu.vector_load %arg9[%get3A_1074] {strides = array<i32>} : memref<512xf32, #tpu.memory_space<vmem>>, vector<16xf32>,
      %get3A_1076 = arith.constant 64 : index
      %get3A_1077 = tpu.vector_load %arg9[%get3A_1076] {strides = array<i32>} : memref<512xf32, #tpu.memory_space<vmem>>, vector<16xf32>,
      %get3A_1078 = arith.constant 96 : index
      %get3A_1079 = tpu.vector_load %arg9[%get3A_1078] {strides = array<i32>} : memref<512xf32, #tpu.memory_space<vmem>>, vector<16xf32>,
      %get3A_1080 = arith.constant 128 : index
      %get3A_1081 = tpu.vector_load %arg9[%get3A_1080] {strides = array<i32>} : memref<512xf32, #tpu.memory_space<vmem>>, vector<16xf32>,
      %get3A_1082 = arith.constant 160 : index
      %get3A_1083 = tpu.vector_load %arg9[%get3A_1082] {strides = array<i32>} : memref<512xf32, #tpu.memory_space<vmem>>, vector<16xf32>,
      %get3A_1084 = arith.constant 192 : index
      %get3A_1085 = tpu.vector_load %arg9[%get3A_1084] {strides = array<i32>} : memref<512xf32, #tpu.memory_space<vmem>>, vector<16xf32>,
      %get3A_1086 = arith.constant 224 : index
      %get3A_1087 = tpu.vector_load %arg9[%get3A_1086] {strides = array<i32>} : memref<512xf32, #tpu.memory_space<vmem>>, vector<16xf32>,
      %get3A_1088 = arith.constant 256 : index
      %get3A_1089 = tpu.vector_load %arg9[%get3A_1088] {strides = array<i32>} : memref<512xf32, #tpu.memory_space<vmem>>, vector<16xf32>,
      %get3A_1090 = arith.constant 288 : index
      %get3A_1091 = tpu.vector_load %arg9[%get3A_1090] {strides = array<i32>} : memref<512xf32, #tpu.memory_space<vmem>>, vector<16xf32>,
      %get3A_1092 = arith.constant 320 : index
      %get3A_1093 = tpu.vector_load %arg9[%get3A_1092] {strides = array<i32>} : memref<512xf32, #tpu.memory_space<vmem>>, vector<16xf32>,
      %get3A_1094 = arith.constant 352 : index
      %get3A_1095 = tpu.vector_load %arg9[%get3A_1094] {strides = array<i32>} : memref<512xf32, #tpu.memory_space<vmem>>, vector<16xf32>,
      %get3A_1096 = arith.constant 384 : index
      %get3A_1097 = tpu.vector_load %arg9[%get3A_1096] {strides = array<i32>} : memref<512xf32, #tpu.memory_space<vmem>>, vector<16xf32>,
      %get3A_1098 = arith.constant 416 : index
      %get3A_1099 = tpu.vector_load %arg9[%get3A_1098] {strides = array<i32>} : memref<512xf32, #tpu.memory_space<vmem>>, vector<16xf32>,
      %get3A_1100 = arith.constant 448 : index
      %get3A_1101 = tpu.vector_load %arg9[%get3A_1100] {strides = array<i32>} : memref<512xf32, #tpu.memory_space<vmem>>, vector<16xf32>,
      %get3A_1102 = arith.constant 480 : index
      %get3A_1103 = tpu.vector_load %arg9[%get3A_1102] {strides = array<i32>} : memref<512xf32, #tpu.memory_space<vmem>>, vector<16xf32>,
      %masked_sort3A_1104 = arith.constant dense<true> : vector<16xi1>
      %masked_sort3A_1105, %masked_sort3A_1106, %masked_sort3A_1107 = tpu.sort %get3A_1073, %get3A_1073 masked %masked_sort3A_1104 : (vector<16xf32>, vector<16xf32>, vector<16xi1>) -> (vector<16xi1>, vector<16xf32>, vector<16xf32>)
      %masked_sort3A_1108 = arith.constant dense<true> : vector<16xi1>
      %masked_sort3A_1109, %masked_sort3A_1110, %masked_sort3A_1111 = tpu.sort %get3A_1075, %get3A_1075 masked %masked_sort3A_1108 {descending = true} : (vector<16xf32>, vector<16xf32>, vector<16xi1>) -> (vector<16xi1>, vector<16xf32>, vector<16xf32>)
      %max3A_1112 = arith.maximumf %masked_sort3A_1106, %masked_sort3A_1110 : vector<16xf32>
      %masked_sort3A_1113 = arith.constant dense<true> : vector<16xi1>
      %masked_sort3A_1114, %masked_sort3A_1115, %masked_sort3A_1116 = tpu.sort %get3A_1077, %get3A_1077 masked %masked_sort3A_1113 : (vector<16xf32>, vector<16xf32>, vector<16xi1>) -> (vector<16xi1>, vector<16xf32>, vector<16xf32>)
      %masked_sort3A_1117 = arith.constant dense<true> : vector<16xi1>
      %masked_sort3A_1118, %masked_sort3A_1119, %masked_sort3A_1120 = tpu.sort %get3A_1079, %get3A_1079 masked %masked_sort3A_1117 {descending = true} : (vector<16xf32>, vector<16xf32>, vector<16xi1>) -> (vector<16xi1>, vector<16xf32>, vector<16xf32>)
      %max3A_1121 = arith.maximumf %masked_sort3A_1115, %masked_sort3A_1119 : vector<16xf32>
      %masked_sort3A_1122 = arith.constant dense<true> : vector<16xi1>
      %masked_sort3A_1123, %masked_sort3A_1124, %masked_sort3A_1125 = tpu.sort %get3A_1081, %get3A_1081 masked %masked_sort3A_1122 : (vector<16xf32>, vector<16xf32>, vector<16xi1>) -> (vector<16xi1>, vector<16xf32>, vector<16xf32>)
      %masked_sort3A_1126 = arith.constant dense<true> : vector<16xi1>
      %masked_sort3A_1127, %masked_sort3A_1128, %masked_sort3A_1129 = tpu.sort %get3A_1083, %get3A_1083 masked %masked_sort3A_1126 {descending = true} : (vector<16xf32>, vector<16xf32>, vector<16xi1>) -> (vector<16xi1>, vector<16xf32>, vector<16xf32>)
      %max3A_1130 = arith.maximumf %masked_sort3A_1124, %masked_sort3A_1128 : vector<16xf32>
      %masked_sort3A_1131 = arith.constant dense<true> : vector<16xi1>
      %masked_sort3A_1132, %masked_sort3A_1133, %masked_sort3A_1134 = tpu.sort %get3A_1085, %get3A_1085 masked %masked_sort3A_1131 : (vector<16xf32>, vector<16xf32>, vector<16xi1>) -> (vector<16xi1>, vector<16xf32>, vector<16xf32>)
      %masked_sort3A_1135 = arith.constant dense<true> : vector<16xi1>
      %masked_sort3A_1136, %masked_sort3A_1137, %masked_sort3A_1138 = tpu.sort %get3A_1087, %get3A_1087 masked %masked_sort3A_1135 {descending = true} : (vector<16xf32>, vector<16xf32>, vector<16xi1>) -> (vector<16xi1>, vector<16xf32>, vector<16xf32>)
      %max3A_1139 = arith.maximumf %masked_sort3A_1133, %masked_sort3A_1137 : vector<16xf32>
      %masked_sort3A_1140 = arith.constant dense<true> : vector<16xi1>
      %masked_sort3A_1141, %masked_sort3A_1142, %masked_sort3A_1143 = tpu.sort %get3A_1089, %get3A_1089 masked %masked_sort3A_1140 : (vector<16xf32>, vector<16xf32>, vector<16xi1>) -> (vector<16xi1>, vector<16xf32>, vector<16xf32>)
      %masked_sort3A_1144 = arith.constant dense<true> : vector<16xi1>
      %masked_sort3A_1145, %masked_sort3A_1146, %masked_sort3A_1147 = tpu.sort %get3A_1091, %get3A_1091 masked %masked_sort3A_1144 {descending = true} : (vector<16xf32>, vector<16xf32>, vector<16xi1>) -> (vector<16xi1>, vector<16xf32>, vector<16xf32>)
      %max3A_1148 = arith.maximumf %masked_sort3A_1142, %masked_sort3A_1146 : vector<16xf32>
      %masked_sort3A_1149 = arith.constant dense<true> : vector<16xi1>
      %masked_sort3A_1150, %masked_sort3A_1151, %masked_sort3A_1152 = tpu.sort %get3A_1093, %get3A_1093 masked %masked_sort3A_1149 : (vector<16xf32>, vector<16xf32>, vector<16xi1>) -> (vector<16xi1>, vector<16xf32>, vector<16xf32>)
      %masked_sort3A_1153 = arith.constant dense<true> : vector<16xi1>
      %masked_sort3A_1154, %masked_sort3A_1155, %masked_sort3A_1156 = tpu.sort %get3A_1095, %get3A_1095 masked %masked_sort3A_1153 {descending = true} : (vector<16xf32>, vector<16xf32>, vector<16xi1>) -> (vector<16xi1>, vector<16xf32>, vector<16xf32>)
      %max3A_1157 = arith.maximumf %masked_sort3A_1151, %masked_sort3A_1155 : vector<16xf32>
      %masked_sort3A_1158 = arith.constant dense<true> : vector<16xi1>
      %masked_sort3A_1159, %masked_sort3A_1160, %masked_sort3A_1161 = tpu.sort %get3A_1097, %get3A_1097 masked %masked_sort3A_1158 : (vector<16xf32>, vector<16xf32>, vector<16xi1>) -> (vector<16xi1>, vector<16xf32>, vector<16xf32>)
      %masked_sort3A_1162 = arith.constant dense<true> : vector<16xi1>
      %masked_sort3A_1163, %masked_sort3A_1164, %masked_sort3A_1165 = tpu.sort %get3A_1099, %get3A_1099 masked %masked_sort3A_1162 {descending = true} : (vector<16xf32>, vector<16xf32>, vector<16xi1>) -> (vector<16xi1>, vector<16xf32>, vector<16xf32>)
      %max3A_1166 = arith.maximumf %masked_sort3A_1160, %masked_sort3A_1164 : vector<16xf32>
      %masked_sort3A_1167 = arith.constant dense<true> : vector<16xi1>
      %masked_sort3A_1168, %masked_sort3A_1169, %masked_sort3A_1170 = tpu.sort %get3A_1101, %get3A_1101 masked %masked_sort3A_1167 : (vector<16xf32>, vector<16xf32>, vector<16xi1>) -> (vector<16xi1>, vector<16xf32>, vector<16xf32>)
      %masked_sort3A_1171 = arith.constant dense<true> : vector<16xi1>
      %masked_sort3A_1172, %masked_sort3A_1173, %masked_sort3A_1174 = tpu.sort %get3A_1103, %get3A_1103 masked %masked_sort3A_1171 {descending = true} : (vector<16xf32>, vector<16xf32>, vector<16xi1>) -> (vector<16xi1>, vector<16xf32>, vector<16xf32>)
      %max3A_1175 = arith.maximumf %masked_sort3A_1169, %masked_sort3A_1173 : vector<16xf32>
      %masked_sort3A_1176 = arith.constant dense<true> : vector<16xi1>
      %masked_sort3A_1177, %masked_sort3A_1178, %masked_sort3A_1179 = tpu.sort %max3A_1112, %max3A_1112 masked %masked_sort3A_1176 : (vector<16xf32>, vector<16xf32>, vector<16xi1>) -> (vector<16xi1>, vector<16xf32>, vector<16xf32>)
      %masked_sort3A_1180 = arith.constant dense<true> : vector<16xi1>
      %masked_sort3A_1181, %masked_sort3A_1182, %masked_sort3A_1183 = tpu.sort %max3A_1121, %max3A_1121 masked %masked_sort3A_1180 {descending = true} : (vector<16xf32>, vector<16xf32>, vector<16xi1>) -> (vector<16xi1>, vector<16xf32>, vector<16xf32>)
      %max3A_1184 = arith.maximumf %masked_sort3A_1178, %masked_sort3A_1182 : vector<16xf32>
      %masked_sort3A_1185 = arith.constant dense<true> : vector<16xi1>
      %masked_sort3A_1186, %masked_sort3A_1187, %masked_sort3A_1188 = tpu.sort %max3A_1130, %max3A_1130 masked %masked_sort3A_1185 : (vector<16xf32>, vector<16xf32>, vector<16xi1>) -> (vector<16xi1>, vector<16xf32>, vector<16xf32>)
      %masked_sort3A_1189 = arith.constant dense<true> : vector<16xi1>
      %masked_sort3A_1190, %masked_sort3A_1191, %masked_sort3A_1192 = tpu.sort %max3A_1139, %max3A_1139 masked %masked_sort3A_1189 {descending = true} : (vector<16xf32>, vector<16xf32>, vector<16xi1>) -> (vector<16xi1>, vector<16xf32>, vector<16xf32>)
      %max3A_1193 = arith.maximumf %masked_sort3A_1187, %masked_sort3A_1191 : vector<16xf32>
      %masked_sort3A_1194 = arith.constant dense<true> : vector<16xi1>
      %masked_sort3A_1195, %masked_sort3A_1196, %masked_sort3A_1197 = tpu.sort %max3A_1148, %max3A_1148 masked %masked_sort3A_1194 : (vector<16xf32>, vector<16xf32>, vector<16xi1>) -> (vector<16xi1>, vector<16xf32>, vector<16xf32>)
      %masked_sort3A_1198 = arith.constant dense<true> : vector<16xi1>
      %masked_sort3A_1199, %masked_sort3A_1200, %masked_sort3A_1201 = tpu.sort %max3A_1157, %max3A_1157 masked %masked_sort3A_1198 {descending = true} : (vector<16xf32>, vector<16xf32>, vector<16xi1>) -> (vector<16xi1>, vector<16xf32>, vector<16xf32>)
      %max3A_1202 = arith.maximumf %masked_sort3A_1196, %masked_sort3A_1200 : vector<16xf32>
      %masked_sort3A_1203 = arith.constant dense<true> : vector<16xi1>
      %masked_sort3A_1204, %masked_sort3A_1205, %masked_sort3A_1206 = tpu.sort %max3A_1166, %max3A_1166 masked %masked_sort3A_1203 : (vector<16xf32>, vector<16xf32>, vector<16xi1>) -> (vector<16xi1>, vector<16xf32>, vector<16xf32>)
      %masked_sort3A_1207 = arith.constant dense<true> : vector<16xi1>
      %masked_sort3A_1208, %masked_sort3A_1209, %masked_sort3A_1210 = tpu.sort %max3A_1175, %max3A_1175 masked %masked_sort3A_1207 {descending = true} : (vector<16xf32>, vector<16xf32>, vector<16xi1>) -> (vector<16xi1>, vector<16xf32>, vector<16xf32>)
      %max3A_1211 = arith.maximumf %masked_sort3A_1205, %masked_sort3A_1209 : vector<16xf32>
      %masked_sort3A_1212 = arith.constant dense<true> : vector<16xi1>
      %masked_sort3A_1213, %masked_sort3A_1214, %masked_sort3A_1215 = tpu.sort %max3A_1184, %max3A_1184 masked %masked_sort3A_1212 : (vector<16xf32>, vector<16xf32>, vector<16xi1>) -> (vector<16xi1>, vector<16xf32>, vector<16xf32>)
      %masked_sort3A_1216 = arith.constant dense<true> : vector<16xi1>
      %masked_sort3A_1217, %masked_sort3A_1218, %masked_sort3A_1219 = tpu.sort %max3A_1193, %max3A_1193 masked %masked_sort3A_1216 {descending = true} : (vector<16xf32>, vector<16xf32>, vector<16xi1>) -> (vector<16xi1>, vector<16xf32>, vector<16xf32>)
      %max3A_1220 = arith.maximumf %masked_sort3A_1214, %masked_sort3A_1218 : vector<16xf32>
      %masked_sort3A_1221 = arith.constant dense<true> : vector<16xi1>
      %masked_sort3A_1222, %masked_sort3A_1223, %masked_sort3A_1224 = tpu.sort %max3A_1202, %max3A_1202 masked %masked_sort3A_1221 : (vector<16xf32>, vector<16xf32>, vector<16xi1>) -> (vector<16xi1>, vector<16xf32>, vector<16xf32>)
      %masked_sort3A_1225 = arith.constant dense<true> : vector<16xi1>
      %masked_sort3A_1226, %masked_sort3A_1227, %masked_sort3A_1228 = tpu.sort %max3A_1211, %max3A_1211 masked %masked_sort3A_1225 {descending = true} : (vector<16xf32>, vector<16xf32>, vector<16xi1>) -> (vector<16xi1>, vector<16xf32>, vector<16xf32>)
      %max3A_1229 = arith.maximumf %masked_sort3A_1223, %masked_sort3A_1227 : vector<16xf32>
      %masked_sort3A_1230 = arith.constant dense<true> : vector<16xi1>
      %masked_sort3A_1231, %masked_sort3A_1232, %masked_sort3A_1233 = tpu.sort %max3A_1220, %max3A_1220 masked %masked_sort3A_1230 : (vector<16xf32>, vector<16xf32>, vector<16xi1>) -> (vector<16xi1>, vector<16xf32>, vector<16xf32>)
      %masked_sort3A_1234 = arith.constant dense<true> : vector<16xi1>
      %masked_sort3A_1235, %masked_sort3A_1236, %masked_sort3A_1237 = tpu.sort %max3A_1229, %max3A_1229 masked %masked_sort3A_1234 {descending = true} : (vector<16xf32>, vector<16xf32>, vector<16xi1>) -> (vector<16xi1>, vector<16xf32>, vector<16xf32>)
      %max3A_1238 = arith.maximumf %masked_sort3A_1232, %masked_sort3A_1236 : vector<16xf32>
      %get3A_1239 = arith.constant 16 : index
      %get3A_1240 = tpu.vector_load %arg9[%get3A_1239] {strides = array<i32>} : memref<512xf32, #tpu.memory_space<vmem>>, vector<16xf32>,
      %get3A_1241 = arith.constant 48 : index
      %get3A_1242 = tpu.vector_load %arg9[%get3A_1241] {strides = array<i32>} : memref<512xf32, #tpu.memory_space<vmem>>, vector<16xf32>,
      %add3A_1243 = arith.addf %get3A_1240, %get3A_1242 : vector<16xf32>
      %get3A_1244 = arith.constant 80 : index
      %get3A_1245 = tpu.vector_load %arg9[%get3A_1244] {strides = array<i32>} : memref<512xf32, #tpu.memory_space<vmem>>, vector<16xf32>,
      %add3A_1246 = arith.addf %add3A_1243, %get3A_1245 : vector<16xf32>
      %get3A_1247 = arith.constant 112 : index
      %get3A_1248 = tpu.vector_load %arg9[%get3A_1247] {strides = array<i32>} : memref<512xf32, #tpu.memory_space<vmem>>, vector<16xf32>,
      %add3A_1249 = arith.addf %add3A_1246, %get3A_1248 : vector<16xf32>
      %get3A_1250 = arith.constant 144 : index
      %get3A_1251 = tpu.vector_load %arg9[%get3A_1250] {strides = array<i32>} : memref<512xf32, #tpu.memory_space<vmem>>, vector<16xf32>,
      %add3A_1252 = arith.addf %add3A_1249, %get3A_1251 : vector<16xf32>
      %get3A_1253 = arith.constant 176 : index
      %get3A_1254 = tpu.vector_load %arg9[%get3A_1253] {strides = array<i32>} : memref<512xf32, #tpu.memory_space<vmem>>, vector<16xf32>,
      %add3A_1255 = arith.addf %add3A_1252, %get3A_1254 : vector<16xf32>
      %get3A_1256 = arith.constant 208 : index
      %get3A_1257 = tpu.vector_load %arg9[%get3A_1256] {strides = array<i32>} : memref<512xf32, #tpu.memory_space<vmem>>, vector<16xf32>,
      %add3A_1258 = arith.addf %add3A_1255, %get3A_1257 : vector<16xf32>
      %get3A_1259 = arith.constant 240 : index
      %get3A_1260 = tpu.vector_load %arg9[%get3A_1259] {strides = array<i32>} : memref<512xf32, #tpu.memory_space<vmem>>, vector<16xf32>,
      %add3A_1261 = arith.addf %add3A_1258, %get3A_1260 : vector<16xf32>
      %get3A_1262 = arith.constant 272 : index
      %get3A_1263 = tpu.vector_load %arg9[%get3A_1262] {strides = array<i32>} : memref<512xf32, #tpu.memory_space<vmem>>, vector<16xf32>,
      %add3A_1264 = arith.addf %add3A_1261, %get3A_1263 : vector<16xf32>
      %get3A_1265 = arith.constant 304 : index
      %get3A_1266 = tpu.vector_load %arg9[%get3A_1265] {strides = array<i32>} : memref<512xf32, #tpu.memory_space<vmem>>, vector<16xf32>,
      %add3A_1267 = arith.addf %add3A_1264, %get3A_1266 : vector<16xf32>
      %get3A_1268 = arith.constant 336 : index
      %get3A_1269 = tpu.vector_load %arg9[%get3A_1268] {strides = array<i32>} : memref<512xf32, #tpu.memory_space<vmem>>, vector<16xf32>,
      %add3A_1270 = arith.addf %add3A_1267, %get3A_1269 : vector<16xf32>
      %get3A_1271 = arith.constant 368 : index
      %get3A_1272 = tpu.vector_load %arg9[%get3A_1271] {strides = array<i32>} : memref<512xf32, #tpu.memory_space<vmem>>, vector<16xf32>,
      %add3A_1273 = arith.addf %add3A_1270, %get3A_1272 : vector<16xf32>
      %get3A_1274 = arith.constant 400 : index
      %get3A_1275 = tpu.vector_load %arg9[%get3A_1274] {strides = array<i32>} : memref<512xf32, #tpu.memory_space<vmem>>, vector<16xf32>,
      %add3A_1276 = arith.addf %add3A_1273, %get3A_1275 : vector<16xf32>
      %get3A_1277 = arith.constant 432 : index
      %get3A_1278 = tpu.vector_load %arg9[%get3A_1277] {strides = array<i32>} : memref<512xf32, #tpu.memory_space<vmem>>, vector<16xf32>,
      %add3A_1279 = arith.addf %add3A_1276, %get3A_1278 : vector<16xf32>
      %get3A_1280 = arith.constant 464 : index
      %get3A_1281 = tpu.vector_load %arg9[%get3A_1280] {strides = array<i32>} : memref<512xf32, #tpu.memory_space<vmem>>, vector<16xf32>,
      %add3A_1282 = arith.addf %add3A_1279, %get3A_1281 : vector<16xf32>
      %get3A_1283 = arith.constant 496 : index
      %get3A_1284 = tpu.vector_load %arg9[%get3A_1283] {strides = array<i32>} : memref<512xf32, #tpu.memory_space<vmem>>, vector<16xf32>,
      %add3A_1285 = arith.addf %add3A_1282, %get3A_1284 : vector<16xf32>
      %reduce_sum3A = arith.constant true
      %reduce_sum3A_1286 = vector.broadcast %reduce_sum3A : i1 to vector<16xi1>
      %reduce_sum3A_1287 = tpu.scan <sum>, %add3A_1285 masked %reduce_sum3A_1286 : vector<16xf32>, vector<16xi1> -> vector<16xf32>
      %reduce_sum3A_1288 = vector.extract %reduce_sum3A_1287[15] : f32 from vector<16xf32>
      %reduce_sum3A_1289 = arith.constant true
      %reduce_sum3A_1290 = vector.broadcast %reduce_sum3A_1289 : i1 to vector<16xi1>
      %reduce_sum3A_1291 = tpu.scan <sum>, %max3A_1238 masked %reduce_sum3A_1290 : vector<16xf32>, vector<16xi1> -> vector<16xf32>
      %reduce_sum3A_1292 = vector.extract %reduce_sum3A_1291[15] : f32 from vector<16xf32>
      %sub3A_1293 = arith.subf %reduce_sum3A_1288, %reduce_sum3A_1292 : f32
      %mul3A_1294 = arith.constant 6.10948191E-5 : f32
      %mul3A_1295 = arith.mulf %sub3A_1293, %mul3A_1294 : f32
      %broadcast_in_dim3A_1296 = vector.broadcast %mul3A_1295 : f32 to vector<16xf32>
      %swap3A_1297 = arith.constant 0 : index
      %swap3A_1298 = tpu.vector_load %arg10[%swap3A_1297] {strides = array<i32>} : memref<16xf32, #tpu.memory_space<vmem>>, vector<16xf32>,
      tpu.vector_store %arg10[%swap3A_1297], %broadcast_in_dim3A_1296 {strides = array<i32>} : memref<16xf32, #tpu.memory_space<vmem>>, vector<16xf32>,
      "tpu.region"() ({
        %run_scoped3A = tpu.sem_alloc : memref<!tpu.dma_semaphore, #tpu.memory_space<semaphore_mem>>
        tpu.enqueue_dma source(%arg10 : memref<16xf32, #tpu.memory_space<vmem>>) target(%arg4 : memref<16xf32, #tpu.memory_space<hbm>>) target_semaphore(%run_scoped3A : memref<!tpu.dma_semaphore, #tpu.memory_space<semaphore_mem>>)
        tpu.wait_dma2 semaphore(%run_scoped3A : memref<!tpu.dma_semaphore, #tpu.memory_space<semaphore_mem>>) src(%arg10 : memref<16xf32, #tpu.memory_space<vmem>>) dst(%arg4 : memref<16xf32, #tpu.memory_space<hbm>>)
        tpu.yield
      }) : () -> ()
    } else {
    }
    return
  }
}

</mosaic_0001>

<sc_bundles>
// kernel: _ousm_sc.3.cloned.1.call-start
scs
__scs_entry_jumppad:
0x0: {  	(pc) =	sbr.rel $0x88, $3  }
0x1: {  	(tag) =	ssettag $0x0;
	lr =	simm.s32 $0x1  }
0x2: {  	[smem:$0x3F9F] =	sst lr;
	_ =	strace $0xD0000000  }
0x3: {  	_ = 	snop  }
0x4: {  	_ = 	snop  }
0x5: {  	_ = 	snop  }
0x6: {  	_ = 	snop  }
0x7: {  	_ = 	snop  }
__scs_overlays_trampoline_lowered:
0x8: {  	[smem:$0x3FAE] =	sst s0  }
0x9: {  	[smem:$0x3FAF] =	sst s1  }
0xa: {  	[smem:$0x3FB0] =	sst s2  }
0xb: {  	[smem:$0x3FB1] =	sst s3  }
0xc: {  	[smem:$0x3FB2] =	sst s4  }
0xd: {  	[smem:$0x3FB3] =	sst s5  }
0xe: {  	[smem:$0x3FB4] =	sst s6  }
0xf: {  	[smem:$0x3FB5] =	sst s7  }
0x10: {  	[smem:$0x3FB6] =	sst s8  }
0x11: {  	[smem:$0x3FB7] =	sst s9;
	s0 =	simm.s32 @!p0 $0x0  }
0x12: {  	s1 =	sld [smem:$0x3F9D];
	s0 =	simm.s32 @p0 $0x1  }
0x13: {  	[smem:$0x3FB8] =	sst s0;
	s0 =	simm.s32 @!p1 $0x0  }
0x14: {  	s2 =	sld [smem:$0x3F9C];
	s0 =	simm.s32 @p1 $0x1  }
0x15: {  	[smem:$0x3FB9] =	sst s0;
	s0 =	simm.s32 @!p2 $0x0  }
0x16: {  	s3 =	sld [smem:$0x3FDB];
	s0 =	simm.s32 @p2 $0x1  }
0x17: {  	s4 =	simm.s32 $0x1BF5;
	[smem:$0x3FBB] =	sst s0  }
0x18: {  	s0 =	sld [smem:$0x3F9E];
	_ =	swait.ge [sflag:s4], $0x0  }
0x19: {  	s7 =	sld [smem:$0x3F9F]  }
0x1a: {  	s8 =	sadd.s32 $0xFFFFE003, lr  }
0x1b: {  	s9 =	sadd.s32 $0xFFFFFEF7, lr;
	s5 =	simm.s32 $0xFFFFFFFF;
	p2 =	slt.u32 s8, $0xFFFFF086  }
0x1c: {  	p1 =	slt.u32 s9, $0xF7A;
	s5 =	simm.s32 @!p2 $0x0  }
0x1d: {  	s5 =	simm.s32 @p1 $0x1;
	p0 =	seq.s32 s7, s2  }
0x1e: {  	s7 =	smul.u32 @!p0 $0xF7A, s2;
	p2 =	seq.s32 @!p0 s5, $0x0  }
0x1f: {  	s9 =	smul.u32 $0xF7A, s1;
	s8 =	simm.s32 @!p0 $0x1BF5;
	p2 =	por !p2, p0  }
0x20: {  	[sflag:s8] =	ssyncset.s32 @!p0 $0xFFFFF086;
	s6 =	sadd.s32 @!p0 s3, s7;
	s7 =	simm.s32 @!p0 $0x108  }
0x21: {  	s3 =	sadd.s32 s3, s9;
	s6 =	sadd.s32 @!p0 $0x88, s6;
	s7 =	simm.s32 @p2 $0x1082  }
0x22: {  	[simem:s7], [sflag:s8] =	dma.local @!p0 [hbm:s6], $0xF7A  }
0x23: {  	s9 =	sor.u32 $0xD0000000, s2;
	s6 =	simm.s32 $0x108;
	_ =	swait.ge @!p0 [sflag:s8], $0x0  }
0x24: {  	s3 =	sadd.s32 $0x88, s3;
	s6 =	simm.s32 @!p1 $0x1082;
	[sflag:s4] =	ssyncset.s32 $0xFFFFF086  }
0x25: {  	[simem:s6], [sflag:s4] =	dma.local [hbm:s3], $0xF7A  }
0x26: {  	[smem:$0x3F9F] =	sst s1;
	(tag) =	ssettag s2;
	_ =	strace s9  }
0x27: {  	s1 =	sld [smem:$0x3FAF]  }
0x28: {  	s2 =	sld [smem:$0x3FB0]  }
0x29: {  	s4 =	sld [smem:$0x3FB2]  }
0x2a: {  	p0 =	seq.s32 s5, $0x0;
	s5 =	sld [smem:$0x3FB3]  }
0x2b: {  	s6 =	sld [smem:$0x3FB4]  }
0x2c: {  	s7 =	sld [smem:$0x3FB5]  }
0x2d: {  	s3 =	simm.s32 $0x108;
	s8 =	sld [smem:$0x3FB6]  }
0x2e: {  	s3 =	simm.s32 @!p0 $0x1082;
	s9 =	sld [smem:$0x3FB7]  }
0x2f: {  	lr =	sadd.s32 s0, s3;
	s0 =	sld [smem:$0x3FAE]  }
0x30: {  	s3 =	sld [smem:$0x3FB1]  }
0x31: {  	[smem:$0x3FBA] =	sst s10  }
0x32: {  	s10 =	sld [smem:$0x3FB8];
	_ =	sdelay $0x3  }
0x33: {  	p0 =	seq.s32 s10, $0x1;
	s10 =	sld [smem:$0x3FBA];
	_ =	sdelay $0x3  }
0x34: {  	[smem:$0x3FBA] =	sst s10  }
0x35: {  	s10 =	sld [smem:$0x3FB9];
	_ =	sdelay $0x3  }
0x36: {  	p1 =	seq.s32 s10, $0x1;
	s10 =	sld [smem:$0x3FBA];
	_ =	sdelay $0x3  }
0x37: {  	[smem:$0x3FBA] =	sst s10  }
0x38: {  	s10 =	sld [smem:$0x3FBB]  }
0x39: {  	_ = 	snop;
	(pc) =	sbr.ind lr, $3  }
0x3a: {  	_ = 	snop  }
0x3b: {  	_ = 	snop  }
0x3c: {  	p2 =	seq.s32 s10, $0x1;
	s10 =	sld [smem:$0x3FBA]  }
0x3d: {  	_ =	shalt  }
0x3e: {  	_ =	shalt  }
0x3f: {  	_ =	shalt  }
0x40: {  	_ =	shalt  }
0x41: {  	_ =	shalt  }
0x42: {  	_ =	shalt  }
0x43: {  	_ =	shalt  }
0x44: {  	_ =	shalt  }
0x45: {  	_ =	shalt  }
0x46: {  	_ =	shalt  }
0x47: {  	_ =	shalt  }
0x48: {  	_ =	shalt  }
0x49: {  	_ =	shalt  }
0x4a: {  	_ =	shalt  }
0x4b: {  	_ =	shalt  }
0x4c: {  	_ =	shalt  }
0x4d: {  	_ =	shalt  }
0x4e: {  	_ =	shalt  }
0x4f: {  	_ =	shalt  }
0x50: {  	_ =	shalt  }
0x51: {  	_ =	shalt  }
0x52: {  	_ =	shalt  }
0x53: {  	_ =	shalt  }
0x54: {  	_ =	shalt  }
0x55: {  	_ =	shalt  }
0x56: {  	_ =	shalt  }
0x57: {  	_ =	shalt  }
0x58: {  	_ =	shalt  }
0x59: {  	_ =	shalt  }
0x5a: {  	_ =	shalt  }
0x5b: {  	_ =	shalt  }
0x5c: {  	_ =	shalt  }
0x5d: {  	_ =	shalt  }
0x5e: {  	_ =	shalt  }
0x5f: {  	_ =	shalt  }
0x60: {  	_ =	shalt  }
0x61: {  	_ =	shalt  }
0x62: {  	_ =	shalt  }
0x63: {  	_ =	shalt  }
0x64: {  	_ =	shalt  }
0x65: {  	_ =	shalt  }
0x66: {  	_ =	shalt  }
0x67: {  	_ =	shalt  }
0x68: {  	_ =	shalt  }
0x69: {  	_ =	shalt  }
0x6a: {  	_ =	shalt  }
0x6b: {  	_ =	shalt  }
0x6c: {  	_ =	shalt  }
0x6d: {  	_ =	shalt  }
0x6e: {  	_ =	shalt  }
0x6f: {  	_ =	shalt  }
0x70: {  	_ =	shalt  }
0x71: {  	_ =	shalt  }
0x72: {  	_ =	shalt  }
0x73: {  	_ =	shalt  }
0x74: {  	_ =	shalt  }
0x75: {  	_ =	shalt  }
0x76: {  	_ =	shalt  }
0x77: {  	_ =	shalt  }
0x78: {  	_ =	shalt  }
0x79: {  	_ =	shalt  }
0x7a: {  	_ =	shalt  }
0x7b: {  	_ =	shalt  }
0x7c: {  	_ =	shalt  }
0x7d: {  	_ =	shalt  }
0x7e: {  	_ =	shalt  }
0x7f: {  	_ =	shalt  }
0x80: {  	_ =	shalt  }
0x81: {  	_ =	shalt  }
0x82: {  	_ =	shalt  }
0x83: {  	_ =	shalt  }
0x84: {  	_ =	shalt  }
0x85: {  	_ =	shalt  }
0x86: {  	_ =	shalt  }
0x87: {  	_ =	shalt  }
.Lfunc_end0:
.L_simem_size_0:
called_computation_lowered:
.L_overlay_start_0:
0x88: {  	s0 =	sld [smem:$0x3FD9]  }
0x89: {  	s1 =	sld [smem:$0x3FFE];
	_ =	sdelay $0x3  }
0x8a: {  	s0 =	sadd.s32 s1, s0  }
0x8b: {  	[smem:$0x3FC6] =	sst s0  }
0x8c: {  	_ = 	snop  }
0x8d: {  	s0 =	sld [smem:$0x3FC9]  }
0x8e: {  	s17 =	sld [smem:$0x3FC8]  }
0x8f: {  	s2 =	sld [smem:$0x3FD0];
	(tm) =	ssettm $0x1  }
0x90: {  	s3 =	sld [smem:$0x3FFB];
	_ =	sdelay $0x3  }
0x91: {  	_ =	strace s3  }
0x92: {  	s3 =	sld [smem:$0x3FFC];
	_ =	sdelay $0x3  }
0x93: {  	_ =	strace s3  }
0x94: {  	s3 =	sld [smem:$0x3FFD];
	_ =	sdelay $0x3  }
0x95: {  	_ =	strace s3  }
0x96: {  	_ =	strace $0x8FFFFFFF  }
0x97: {  	s18 =	sld [smem:$0x3FDB];
	_ =	sdelay $0x1  }
0x98: {  	s4 =	simm.s32 $_scs_section_size  }
0x99: {  	s5 =	simm.s32 $_size__tile_overlayer_lowered;
	s6 =	simm.s32 $_tile_overlayer_lowered  }
0x9a: {  	s21 =	simm.s32 $0x1BFF;
	s20 =	sshll.u32 s6, $0x1;
	s3 =	sadd.s32 s4, s18  }
0x9b: {  	s7 =	simm.s32 $0x0;
	s19 =	sshll.u32 s5, $0x1;
	s5 =	sadd.s32 s20, s3  }
0x9c: {  	[timem:s7], [sflag:s21] =	dma.local [hbm:s5], s19  }
0x9d: {  	_ =	swait.ge [sflag:s21], s19  }
0x9e: {  	s4 =	ssub.s32 $0x0, s19;
	[sflag:s21] =	ssyncset.done $0x0  }
0x9f: {  	[sflag:s21] =	ssyncadd.s32 s4;
	_ =	sdelay $0x1  }
0xa0: {  	s22 =	simm.s32 $0x1B8B  }
0xa1: {  	_ =	swait.ge [sflag:s22], $0x1  }
0xa2: {  	[sflag:s22] =	ssyncset.done $0x0  }
0xa3: {  	s23 =	simm.s32 $0x1B8E;
	[sflag:s22] =	ssyncadd.s32 $0xFFFFFFFF  }
0xa4: {  	s24 =	simm.s32 $execute0_lowered;
	[smem:$0x3FD2] =	sst s23  }
0xa5: {  	s4 =	sshll.u32 s24, $0x1;
	_ =	strace $0x80000046;
	[dreg:$0x1] =	wrdreg $0xFFFFFFFF  }
0xa6: {  	s25 =	simm.s32 $_size_execute0_lowered;
	s3 =	sadd.s32 s3, s4;
	[dreg:$0x0] =	wrdreg $0x0  }
0xa7: {  	s4 =	sshll.u32 s25, $0x1;
	[dreg:$0x2] =	wrdreg s3  }
0xa8: {  	[dreg:$0x3] =	wrdreg s4  }
0xa9: {  	[dreg:$0x4] =	wrdreg $0xC0  }
0xaa: {  	_ =	task [dreg:s7], $0x5FFFF  }
0xab: {  	[dreg:$0x1] =	wrdreg $0xFFFFFFFF  }
0xac: {  	[dreg:$0x0] =	wrdreg $0x60  }
0xad: {  	[dreg:$0x2] =	wrdreg s0  }
0xae: {  	[dreg:$0x3] =	wrdreg s17  }
0xaf: {  	[dreg:$0x4] =	wrdreg s2  }
0xb0: {  	[dreg:$0x5] =	wrdreg $0x8800  }
0xb1: {  	[dreg:$0x6] =	wrdreg $0x9  }
0xb2: {  	_ =	task.clear_ibuf [dreg:s7], $0x7FFFF;
	_ =	strace $0x90000046  }
0xb3: {  	s26 =	simm.s32 $0x9;
	_ =	strace $0x80000048  }
0xb4: {  	_ =	swait.ge [sflag:s26], $0x1  }
0xb5: {  	[sflag:s26] =	ssyncadd.s32 $0xFFFFFFFF  }
0xb6: {  	_ =	strace $0x90000048  }
0xb7: {  	_ =	sfence  }
0xb8: {  	s28 =	sld [smem:$0x0];
	_ =	sdelay $0x1  }
0xb9: {  	s29 =	srdreg.scid  }
0xba: {  	s30 =	sshll.u32 s29, $0xD;
	s31 =	sshrl.u32 s29, $0x2  }
0xbb: {  	s1 =	sand.u32 $0x1, s29;
	s2 =	sand.u32 $0x4000, s30;
	s0 =	sadd.s32 s31, s28  }
0xbc: {  	s1 =	sor.u32 s2, s1;
	s0 =	sshll.u32 s0, $0x11  }
0xbd: {  	s0 =	sor.u32 s0, s1  }
0xbe: {  	s0 =	sadd.s32 $0x8F2B, s0  }
0xbf: {  	[sflag:s0] =	ssyncadd.remote.s32 $0x1  }
0xc0: {  	_ =	sfence.sel $0xFFFF  }
0xc1: {  	[dreg:$0x0] =	wrdreg $0xFFFFFFFF;
	(pc) =	sbr.abs _section_cstart, $3  }
0xc2: {  	[dreg:$0x1] =	wrdreg $0xFFFFFFFF  }
0xc3: {  	_ =	task.clear_ibuf [dreg:s7], $0x2FFFF;
	_ =	strace $0x9FFFFFFF  }
0xc4: {  	(tm) =	ssettm $0x7FFFFFFF  }
0xc5: {  	_ =	shalt  }
tec
execute0_lowered:
.L_overlay_start_1:
0x0: {  	(tag) =	ssettag $0x1  }
0x1: {  	s6 =	rddreg [dreg:$0x0]  }
0x2: {  	s7 =	rddreg [dreg:$0x1]  }
0x3: {  	s1 =	rddreg [dreg:$0x2]  }
0x4: {  	s3 =	rddreg [dreg:$0x3];
	s2 =	simm.s32 $0x0  }
0x5: {  	[smem:$0x7FF] =	sst s2  }
0x6: {  	s0 =	rddreg [dreg:$0x4];
	v0 =	vimm.f32 $-Inf;
	_ =	strace $0x80000047  }
0x7: {  	(xrf1) =	vsort.ascd.msk.f32 $0xffff, v0, v0;
	_ =	sdelay $0x8  }
0x8: {  	s4 =	stileid.u32  }
0x9: {  	s5 =	sshll.u32 s4, $0x7  }
0xa: {  	s6 =	sadd.s32 s6, s5  }
0xb: {  	[tilespmem:s2], [sflag:$0x1] =	stream.linear.gather [hbm4b:s6+s2], $0x400, $0x38;
	[tilespmem:$0xB20] =	vst v63  }
0xc: {  	s28 =	simm.s32 $0x400;
	s29 =	simm.s32 $0x1;
	s26 =	sadd.s32 s7, s5  }
0xd: {  	[tilespmem:s28], [sflag:$0x2] =	stream.linear.gather [hbm4b:s26+s2], $0x400, $0x38;
	v7, _, _ =	vpop (xrf1);
	[tilespmem:$0xB20] =	vst v63  }
0xe: {  	_ =	swait.ge [sflag:s29], $0x400  }
0xf: {  	[sflag:s29] =	ssyncset.done $0x0  }
0x10: {  	s30 =	simm.s32 $0x2;
	[sflag:s29] =	ssyncadd.s32 $0xFFFFFC00  }
0x11: {  	_ =	swait.ge [sflag:s30], $0x400  }
0x12: {  	[sflag:s30] =	ssyncset.done $0x0  }
0x13: {  	[sflag:s30] =	ssyncadd.s32 $0xFFFFFC00  }
0x14: {  	v35 =	vld [tilespmem:$0x0]  }
0x15: {  	v1 =	vld [tilespmem:$0x400];
	_ =	sdelay $0x1  }
0x16: {  	v2 =	vld [tilespmem:$0x10]  }
0x17: {  	v3 =	vld [tilespmem:$0x410]  }
0x18: {  	v4 =	vld [tilespmem:$0x20]  }
0x19: {  	v36 =	vld [tilespmem:$0x420];
	v0 =	vsub.f32 v35, v1  }
0x1a: {  	v5 =	vld [tilespmem:$0x30]  }
0x1b: {  	v6 =	vld [tilespmem:$0x430];
	v0 =	vmul.f32 v0, v0  }
0x1c: {  	v2 =	vsub.f32 v2, v3  }
0x1d: {  	(xrf1) =	vsort.dscd.msk.f32 $0xffff, v0, v0  }
0x1e: {  	v1 =	vsub.f32 v4, v36;
	v37 =	vmul.f32 v2, v2;
	_ =	sdelay $0x1  }
0x1f: {  	v39 =	vsub.f32 v5, v6;
	v38 =	vmul.f32 v1, v1;
	(xrf1) =	vsort.dscd.msk.f32 $0xffff, v37, v37;
	_ =	sdelay $0x1  }
0x20: {  	v40 =	vmul.f32 v39, v39;
	(xrf1) =	vsort.dscd.msk.f32 $0xffff, v38, v38;
	_ =	sdelay $0x1  }
0x21: {  	v41 =	vld [tilespmem:$0x40];
	(xrf1) =	vsort.dscd.msk.f32 $0xffff, v40, v40  }
0x22: {  	v42 =	vld [tilespmem:$0x440]  }
0x23: {  	v43 =	vld [tilespmem:$0x50]  }
0x24: {  	v8 =	vld [tilespmem:$0x450]  }
0x25: {  	v9 =	vld [tilespmem:$0x60]  }
0x26: {  	v10 =	vld [tilespmem:$0x460]  }
0x27: {  	v46 =	vld [tilespmem:$0x70];
	v4 =	vsub.f32 v41, v42  }
0x28: {  	v12 =	vld [tilespmem:$0x470];
	v44, _, _ =	vpop (xrf1)  }
0x29: {  	v45 =	vmul.f32 v4, v4;
	v5 =	vmax.f32 v7, v44  }
0x2a: {  	v6 =	vsub.f32 v43, v8;
	(xrf1) =	vsort.ascd.msk.f32 $0xffff, v5, v5  }
0x2b: {  	v11, _, _ =	vpop (xrf1);
	(xrf1) =	vsort.dscd.msk.f32 $0xffff, v45, v45  }
0x2c: {  	v48 =	vsub.f32 v9, v10;
	v47 =	vmul.f32 v6, v6;
	v11 =	vmax.f32 v7, v11  }
0x2d: {  	v8 =	vsub.f32 v46, v12;
	v49, _, _ =	vpop (xrf1);
	(xrf1) =	vsort.ascd.msk.f32 $0xffff, v11, v11  }
0x2e: {  	v50 =	vmul.f32 v48, v48;
	v9 =	vmax.f32 v7, v49;
	(xrf1) =	vsort.dscd.msk.f32 $0xffff, v47, v47  }
0x2f: {  	v51, _, _ =	vpop (xrf1);
	(xrf1) =	vsort.ascd.msk.f32 $0xffff, v9, v9  }
0x30: {  	v52 =	vmul.f32 v8, v8;
	v9 =	vmax.f32 v7, v51;
	(xrf1) =	vsort.dscd.msk.f32 $0xffff, v50, v50  }
0x31: {  	(xrf1) =	vsort.ascd.msk.f32 $0xffff, v9, v9  }
0x32: {  	v53 =	vld [tilespmem:$0x80];
	(xrf1) =	vsort.dscd.msk.f32 $0xffff, v52, v52  }
0x33: {  	v54 =	vld [tilespmem:$0x480]  }
0x34: {  	v55 =	vld [tilespmem:$0x90]  }
0x35: {  	v56 =	vld [tilespmem:$0x490]  }
0x36: {  	v57 =	vld [tilespmem:$0xA0]  }
0x37: {  	v14 =	vld [tilespmem:$0x4A0]  }
0x38: {  	v61 =	vld [tilespmem:$0xB0];
	v8 =	vsub.f32 v53, v54;
	v13, _, _ =	vpop (xrf1)  }
0x39: {  	v16 =	vld [tilespmem:$0x4B0];
	v58, _, _ =	vpop (xrf1)  }
0x3a: {  	v60 =	vmul.f32 v8, v8;
	v9 =	vmax.f32 v13, v58  }
0x3b: {  	v10 =	vsub.f32 v55, v56;
	v59, _, _ =	vpop (xrf1);
	(xrf1) =	vsort.ascd.msk.f32 $0xffff, v9, v9  }
0x3c: {  	v15, _, _ =	vpop (xrf1);
	(xrf1) =	vsort.dscd.msk.f32 $0xffff, v60, v60  }
0x3d: {  	v12 =	vsub.f32 v57, v14;
	v9 =	vmul.f32 v10, v10;
	v13 =	vmax.f32 v59, v15;
	v62, _, _ =	vpop (xrf1)  }
0x3e: {  	v11 =	vsub.f32 v61, v16;
	(xrf1) =	vsort.ascd.msk.f32 $0xffff, v13, v13;
	v63, _, _ =	vpop (xrf1)  }
0x3f: {  	[tilespmem:$0x1FF70] =	vst v0;
	v10 =	vmul.f32 v12, v12;
	(xrf1) =	vsort.dscd.msk.f32 $0xffff, v9, v9;
	v13 =	vmax.f32 v62, v63;
	v0, _, _ =	vpop (xrf1)  }
0x40: {  	(xrf1) =	vsort.ascd.msk.f32 $0xffff, v13, v13;
	v1, _, _ =	vpop (xrf1)  }
0x41: {  	v11 =	vmul.f32 v11, v11;
	(xrf1) =	vsort.dscd.msk.f32 $0xffff, v10, v10;
	v12 =	vmax.f32 v0, v1  }
0x42: {  	(xrf1) =	vsort.ascd.msk.f32 $0xffff, v12, v12  }
0x43: {  	v3 =	vld [tilespmem:$0x4C0];
	(xrf1) =	vsort.dscd.msk.f32 $0xffff, v11, v11  }
0x44: {  	v2 =	vld [tilespmem:$0xC0]  }
0x45: {  	v18 =	vld [tilespmem:$0x4E0]  }
0x46: {  	v4 =	vld [tilespmem:$0xD0]  }
0x47: {  	v5 =	vld [tilespmem:$0x4D0]  }
0x48: {  	v24 =	vld [tilespmem:$0xF0]  }
0x49: {  	v6 =	vld [tilespmem:$0xE0];
	v12 =	vsub.f32 v2, v3;
	v17, _, _ =	vpop (xrf1)  }
0x4a: {  	v20 =	vld [tilespmem:$0x4F0];
	v7, _, _ =	vpop (xrf1)  }
0x4b: {  	v12 =	vmul.f32 v12, v12;
	v13 =	vmax.f32 v17, v7  }
0x4c: {  	v14 =	vsub.f32 v4, v5;
	v8, _, _ =	vpop (xrf1);
	(xrf1) =	vsort.ascd.msk.f32 $0xffff, v13, v13  }
0x4d: {  	v19, _, _ =	vpop (xrf1);
	(xrf1) =	vsort.dscd.msk.f32 $0xffff, v12, v12  }
0x4e: {  	v16 =	vsub.f32 v6, v18;
	v13 =	vmul.f32 v14, v14;
	v17 =	vmax.f32 v8, v19;
	v25, _, _ =	vpop (xrf1)  }
0x4f: {  	v15 =	vsub.f32 v24, v20;
	(xrf1) =	vsort.ascd.msk.f32 $0xffff, v17, v17;
	v26, _, _ =	vpop (xrf1)  }
0x50: {  	v14 =	vmul.f32 v16, v16;
	(xrf1) =	vsort.dscd.msk.f32 $0xffff, v13, v13;
	v17 =	vmax.f32 v25, v26;
	v27, _, _ =	vpop (xrf1)  }
0x51: {  	(xrf1) =	vsort.ascd.msk.f32 $0xffff, v17, v17;
	v28, _, _ =	vpop (xrf1)  }
0x52: {  	v15 =	vmul.f32 v15, v15;
	(xrf1) =	vsort.dscd.msk.f32 $0xffff, v14, v14;
	v16 =	vmax.f32 v27, v28  }
0x53: {  	(xrf1) =	vsort.ascd.msk.f32 $0xffff, v16, v16  }
0x54: {  	v29 =	vld [tilespmem:$0x100];
	(xrf1) =	vsort.dscd.msk.f32 $0xffff, v15, v15  }
0x55: {  	v30 =	vld [tilespmem:$0x500]  }
0x56: {  	v31 =	vld [tilespmem:$0x110]  }
0x57: {  	v32 =	vld [tilespmem:$0x510]  }
0x58: {  	v33 =	vld [tilespmem:$0x120]  }
0x59: {  	v22 =	vld [tilespmem:$0x520]  }
0x5a: {  	v36 =	vld [tilespmem:$0x130];
	v16 =	vsub.f32 v29, v30;
	v21, _, _ =	vpop (xrf1)  }
0x5b: {  	v24 =	vld [tilespmem:$0x530];
	v34, _, _ =	vpop (xrf1)  }
0x5c: {  	v16 =	vmul.f32 v16, v16;
	v17 =	vmax.f32 v21, v34  }
0x5d: {  	v18 =	vsub.f32 v31, v32;
	v35, _, _ =	vpop (xrf1);
	(xrf1) =	vsort.ascd.msk.f32 $0xffff, v17, v17  }
0x5e: {  	v23, _, _ =	vpop (xrf1);
	(xrf1) =	vsort.dscd.msk.f32 $0xffff, v16, v16  }
0x5f: {  	[tilespmem:$0x1FF90] =	vst v37;
	v20 =	vsub.f32 v33, v22;
	v17 =	vmul.f32 v18, v18;
	v21 =	vmax.f32 v35, v23;
	v37, _, _ =	vpop (xrf1)  }
0x60: {  	[tilespmem:$0x1FFB0] =	vst v38;
	v19 =	vsub.f32 v36, v24;
	(xrf1) =	vsort.ascd.msk.f32 $0xffff, v21, v21;
	v38, _, _ =	vpop (xrf1)  }
0x61: {  	v18 =	vmul.f32 v20, v20;
	(xrf1) =	vsort.dscd.msk.f32 $0xffff, v17, v17;
	v21 =	vmax.f32 v37, v38;
	v39, _, _ =	vpop (xrf1)  }
0x62: {  	[tilespmem:$0x1FFD0] =	vst v40;
	(xrf1) =	vsort.ascd.msk.f32 $0xffff, v21, v21;
	v40, _, _ =	vpop (xrf1)  }
0x63: {  	v19 =	vmul.f32 v19, v19;
	(xrf1) =	vsort.dscd.msk.f32 $0xffff, v18, v18;
	v20 =	vmax.f32 v39, v40  }
0x64: {  	(xrf1) =	vsort.ascd.msk.f32 $0xffff, v20, v20  }
0x65: {  	v41 =	vld [tilespmem:$0x140];
	(xrf1) =	vsort.dscd.msk.f32 $0xffff, v19, v19  }
0x66: {  	v42 =	vld [tilespmem:$0x540]  }
0x67: {  	v43 =	vld [tilespmem:$0x150]  }
0x68: {  	v48 =	vld [tilespmem:$0x170]  }
0x69: {  	v44 =	vld [tilespmem:$0x550]  }
0x6a: {  	[tilespmem:$0x1FF80] =	vst v45;
	v45 =	vld [tilespmem:$0x160]  }
0x6b: {  	v26 =	vld [tilespmem:$0x560];
	v20 =	vsub.f32 v41, v42;
	v25, _, _ =	vpop (xrf1)  }
0x6c: {  	v28 =	vld [tilespmem:$0x570];
	v46, _, _ =	vpop (xrf1)  }
0x6d: {  	v20 =	vmul.f32 v20, v20;
	v21 =	vmax.f32 v25, v46  }
0x6e: {  	[tilespmem:$0x1FFA0] =	vst v47;
	v22 =	vsub.f32 v43, v44;
	v47, _, _ =	vpop (xrf1);
	(xrf1) =	vsort.ascd.msk.f32 $0xffff, v21, v21  }
0x6f: {  	v27, _, _ =	vpop (xrf1);
	(xrf1) =	vsort.dscd.msk.f32 $0xffff, v20, v20  }
0x70: {  	v24 =	vsub.f32 v45, v26;
	v21 =	vmul.f32 v22, v22;
	v25 =	vmax.f32 v47, v27;
	v49, _, _ =	vpop (xrf1)  }
0x71: {  	[tilespmem:$0x1FFC0] =	vst v50;
	v23 =	vsub.f32 v48, v28;
	(xrf1) =	vsort.ascd.msk.f32 $0xffff, v25, v25;
	v50, _, _ =	vpop (xrf1)  }
0x72: {  	v22 =	vmul.f32 v24, v24;
	(xrf1) =	vsort.dscd.msk.f32 $0xffff, v21, v21;
	v25 =	vmax.f32 v49, v50;
	v51, _, _ =	vpop (xrf1)  }
0x73: {  	[tilespmem:$0x1FFE0] =	vst v52;
	(xrf1) =	vsort.ascd.msk.f32 $0xffff, v25, v25;
	v52, _, _ =	vpop (xrf1)  }
0x74: {  	v23 =	vmul.f32 v23, v23;
	(xrf1) =	vsort.dscd.msk.f32 $0xffff, v22, v22;
	v24 =	vmax.f32 v51, v52  }
0x75: {  	(xrf1) =	vsort.ascd.msk.f32 $0xffff, v24, v24  }
0x76: {  	v53 =	vld [tilespmem:$0x180];
	(xrf1) =	vsort.dscd.msk.f32 $0xffff, v23, v23  }
0x77: {  	v54 =	vld [tilespmem:$0x580]  }
0x78: {  	v55 =	vld [tilespmem:$0x190]  }
0x79: {  	v56 =	vld [tilespmem:$0x590]  }
0x7a: {  	v57 =	vld [tilespmem:$0x1A0]  }
0x7b: {  	v32 =	vld [tilespmem:$0x5B0]  }
0x7c: {  	v30 =	vld [tilespmem:$0x5A0];
	v24 =	vsub.f32 v53, v54;
	v29, _, _ =	vpop (xrf1)  }
0x7d: {  	[tilespmem:$0x1FFF0] =	vst v60;
	v60 =	vld [tilespmem:$0x1B0];
	v58, _, _ =	vpop (xrf1)  }
0x7e: {  	v24 =	vmul.f32 v24, v24;
	v25 =	vmax.f32 v29, v58  }
0x7f: {  	v26 =	vsub.f32 v55, v56;
	v59, _, _ =	vpop (xrf1);
	(xrf1) =	vsort.ascd.msk.f32 $0xffff, v25, v25  }
0x80: {  	v31, _, _ =	vpop (xrf1);
	(xrf1) =	vsort.dscd.msk.f32 $0xffff, v24, v24  }
0x81: {  	v28 =	vsub.f32 v57, v30;
	v25 =	vmul.f32 v26, v26;
	v29 =	vmax.f32 v59, v31;
	v61, _, _ =	vpop (xrf1)  }
0x82: {  	v27 =	vsub.f32 v60, v32;
	(xrf1) =	vsort.ascd.msk.f32 $0xffff, v29, v29;
	v62, _, _ =	vpop (xrf1)  }
0x83: {  	v26 =	vmul.f32 v28, v28;
	(xrf1) =	vsort.dscd.msk.f32 $0xffff, v25, v25;
	v29 =	vmax.f32 v61, v62;
	v63, _, _ =	vpop (xrf1)  }
0x84: {  	(xrf1) =	vsort.ascd.msk.f32 $0xffff, v29, v29;
	v0, _, _ =	vpop (xrf1)  }
0x85: {  	v27 =	vmul.f32 v27, v27;
	(xrf1) =	vsort.dscd.msk.f32 $0xffff, v26, v26;
	v28 =	vmax.f32 v63, v0  }
0x86: {  	(xrf1) =	vsort.ascd.msk.f32 $0xffff, v28, v28  }
0x87: {  	v1 =	vld [tilespmem:$0x1C0];
	(xrf1) =	vsort.dscd.msk.f32 $0xffff, v27, v27  }
0x88: {  	v2 =	vld [tilespmem:$0x5C0]  }
0x89: {  	v4 =	vld [tilespmem:$0x5D0]  }
0x8a: {  	v5 =	vld [tilespmem:$0x1E0]  }
0x8b: {  	v3 =	vld [tilespmem:$0x1D0]  }
0x8c: {  	v8 =	vld [tilespmem:$0x1F0]  }
0x8d: {  	v34 =	vld [tilespmem:$0x5E0];
	v28 =	vsub.f32 v1, v2;
	v33, _, _ =	vpop (xrf1)  }
0x8e: {  	v36 =	vld [tilespmem:$0x5F0];
	v6, _, _ =	vpop (xrf1)  }
0x8f: {  	v28 =	vmul.f32 v28, v28;
	v29 =	vmax.f32 v33, v6  }
0x90: {  	v30 =	vsub.f32 v3, v4;
	v7, _, _ =	vpop (xrf1);
	(xrf1) =	vsort.ascd.msk.f32 $0xffff, v29, v29  }
0x91: {  	v35, _, _ =	vpop (xrf1);
	(xrf1) =	vsort.dscd.msk.f32 $0xffff, v28, v28  }
0x92: {  	v32 =	vsub.f32 v5, v34;
	v29 =	vmul.f32 v30, v30;
	v33 =	vmax.f32 v7, v35;
	v37, _, _ =	vpop (xrf1)  }
0x93: {  	v31 =	vsub.f32 v8, v36;
	(xrf1) =	vsort.ascd.msk.f32 $0xffff, v33, v33;
	v38, _, _ =	vpop (xrf1)  }
0x94: {  	v30 =	vmul.f32 v32, v32;
	(xrf1) =	vsort.dscd.msk.f32 $0xffff, v29, v29;
	v33 =	vmax.f32 v37, v38;
	v39, _, _ =	vpop (xrf1)  }
0x95: {  	(xrf1) =	vsort.ascd.msk.f32 $0xffff, v33, v33;
	v40, _, _ =	vpop (xrf1)  }
0x96: {  	v31 =	vmul.f32 v31, v31;
	(xrf1) =	vsort.dscd.msk.f32 $0xffff, v30, v30;
	v32 =	vmax.f32 v39, v40  }
0x97: {  	(xrf1) =	vsort.ascd.msk.f32 $0xffff, v32, v32  }
0x98: {  	v41 =	vld [tilespmem:$0x200];
	(xrf1) =	vsort.dscd.msk.f32 $0xffff, v31, v31  }
0x99: {  	v42 =	vld [tilespmem:$0x600]  }
0x9a: {  	v43 =	vld [tilespmem:$0x210]  }
0x9b: {  	v44 =	vld [tilespmem:$0x610]  }
0x9c: {  	v45 =	vld [tilespmem:$0x220]  }
0x9d: {  	v48 =	vld [tilespmem:$0x230]  }
0x9e: {  	v38 =	vld [tilespmem:$0x620];
	v32 =	vsub.f32 v41, v42;
	v37, _, _ =	vpop (xrf1)  }
0x9f: {  	v40 =	vld [tilespmem:$0x630];
	v46, _, _ =	vpop (xrf1)  }
0xa0: {  	v32 =	vmul.f32 v32, v32;
	v33 =	vmax.f32 v37, v46  }
0xa1: {  	v34 =	vsub.f32 v43, v44;
	v47, _, _ =	vpop (xrf1);
	(xrf1) =	vsort.ascd.msk.f32 $0xffff, v33, v33  }
0xa2: {  	v39, _, _ =	vpop (xrf1);
	(xrf1) =	vsort.dscd.msk.f32 $0xffff, v32, v32  }
0xa3: {  	v36 =	vsub.f32 v45, v38;
	v33 =	vmul.f32 v34, v34;
	v37 =	vmax.f32 v47, v39;
	v49, _, _ =	vpop (xrf1)  }
0xa4: {  	v35 =	vsub.f32 v48, v40;
	(xrf1) =	vsort.ascd.msk.f32 $0xffff, v37, v37;
	v50, _, _ =	vpop (xrf1)  }
0xa5: {  	v34 =	vmul.f32 v36, v36;
	(xrf1) =	vsort.dscd.msk.f32 $0xffff, v33, v33;
	v37 =	vmax.f32 v49, v50;
	v51, _, _ =	vpop (xrf1)  }
0xa6: {  	(xrf1) =	vsort.ascd.msk.f32 $0xffff, v37, v37;
	v52, _, _ =	vpop (xrf1)  }
0xa7: {  	v35 =	vmul.f32 v35, v35;
	(xrf1) =	vsort.dscd.msk.f32 $0xffff, v34, v34;
	v36 =	vmax.f32 v51, v52  }
0xa8: {  	(xrf1) =	vsort.ascd.msk.f32 $0xffff, v36, v36  }
0xa9: {  	v53 =	vld [tilespmem:$0x240];
	(xrf1) =	vsort.dscd.msk.f32 $0xffff, v35, v35  }
0xaa: {  	v54 =	vld [tilespmem:$0x640]  }
0xab: {  	v55 =	vld [tilespmem:$0x250]  }
0xac: {  	v56 =	vld [tilespmem:$0x650]  }
0xad: {  	v57 =	vld [tilespmem:$0x260]  }
0xae: {  	v60 =	vld [tilespmem:$0x270]  }
0xaf: {  	v42 =	vld [tilespmem:$0x660];
	v36 =	vsub.f32 v53, v54;
	v41, _, _ =	vpop (xrf1)  }
0xb0: {  	v44 =	vld [tilespmem:$0x670];
	v58, _, _ =	vpop (xrf1)  }
0xb1: {  	v36 =	vmul.f32 v36, v36;
	v37 =	vmax.f32 v41, v58  }
0xb2: {  	v38 =	vsub.f32 v55, v56;
	v59, _, _ =	vpop (xrf1);
	(xrf1) =	vsort.ascd.msk.f32 $0xffff, v37, v37  }
0xb3: {  	v43, _, _ =	vpop (xrf1);
	(xrf1) =	vsort.dscd.msk.f32 $0xffff, v36, v36  }
0xb4: {  	v40 =	vsub.f32 v57, v42;
	v37 =	vmul.f32 v38, v38;
	v41 =	vmax.f32 v59, v43;
	v61, _, _ =	vpop (xrf1)  }
0xb5: {  	v39 =	vsub.f32 v60, v44;
	(xrf1) =	vsort.ascd.msk.f32 $0xffff, v41, v41;
	v62, _, _ =	vpop (xrf1)  }
0xb6: {  	v38 =	vmul.f32 v40, v40;
	(xrf1) =	vsort.dscd.msk.f32 $0xffff, v37, v37;
	v41 =	vmax.f32 v61, v62;
	v63, _, _ =	vpop (xrf1)  }
0xb7: {  	(xrf1) =	vsort.ascd.msk.f32 $0xffff, v41, v41;
	v0, _, _ =	vpop (xrf1)  }
0xb8: {  	v39 =	vmul.f32 v39, v39;
	(xrf1) =	vsort.dscd.msk.f32 $0xffff, v38, v38;
	v40 =	vmax.f32 v63, v0  }
0xb9: {  	(xrf1) =	vsort.ascd.msk.f32 $0xffff, v40, v40  }
0xba: {  	v1 =	vld [tilespmem:$0x280];
	(xrf1) =	vsort.dscd.msk.f32 $0xffff, v39, v39  }
0xbb: {  	v2 =	vld [tilespmem:$0x680]  }
0xbc: {  	v3 =	vld [tilespmem:$0x290]  }
0xbd: {  	v4 =	vld [tilespmem:$0x690]  }
0xbe: {  	v5 =	vld [tilespmem:$0x2A0]  }
0xbf: {  	v8 =	vld [tilespmem:$0x2B0]  }
0xc0: {  	v46 =	vld [tilespmem:$0x6A0];
	v40 =	vsub.f32 v1, v2;
	v45, _, _ =	vpop (xrf1)  }
0xc1: {  	v48 =	vld [tilespmem:$0x6B0];
	v6, _, _ =	vpop (xrf1)  }
0xc2: {  	v40 =	vmul.f32 v40, v40;
	v41 =	vmax.f32 v45, v6  }
0xc3: {  	v42 =	vsub.f32 v3, v4;
	v7, _, _ =	vpop (xrf1);
	(xrf1) =	vsort.ascd.msk.f32 $0xffff, v41, v41  }
0xc4: {  	v47, _, _ =	vpop (xrf1);
	(xrf1) =	vsort.dscd.msk.f32 $0xffff, v40, v40  }
0xc5: {  	v44 =	vsub.f32 v5, v46;
	v41 =	vmul.f32 v42, v42;
	v45 =	vmax.f32 v7, v47;
	v50, _, _ =	vpop (xrf1)  }
0xc6: {  	v43 =	vsub.f32 v8, v48;
	(xrf1) =	vsort.ascd.msk.f32 $0xffff, v45, v45;
	v51, _, _ =	vpop (xrf1)  }
0xc7: {  	v42 =	vmul.f32 v44, v44;
	(xrf1) =	vsort.dscd.msk.f32 $0xffff, v41, v41;
	v45 =	vmax.f32 v50, v51;
	v52, _, _ =	vpop (xrf1)  }
0xc8: {  	(xrf1) =	vsort.ascd.msk.f32 $0xffff, v45, v45;
	v53, _, _ =	vpop (xrf1)  }
0xc9: {  	v43 =	vmul.f32 v43, v43;
	(xrf1) =	vsort.dscd.msk.f32 $0xffff, v42, v42;
	v44 =	vmax.f32 v52, v53  }
0xca: {  	(xrf1) =	vsort.ascd.msk.f32 $0xffff, v44, v44  }
0xcb: {  	v55 =	vld [tilespmem:$0x6C0];
	(xrf1) =	vsort.dscd.msk.f32 $0xffff, v43, v43  }
0xcc: {  	v54 =	vld [tilespmem:$0x2C0]  }
0xcd: {  	v56 =	vld [tilespmem:$0x2D0]  }
0xce: {  	v57 =	vld [tilespmem:$0x6D0]  }
0xcf: {  	v58 =	vld [tilespmem:$0x2E0]  }
0xd0: {  	v61 =	vld [tilespmem:$0x2F0]  }
0xd1: {  	v50 =	vld [tilespmem:$0x6E0];
	v44 =	vsub.f32 v54, v55;
	v49, _, _ =	vpop (xrf1)  }
0xd2: {  	v52 =	vld [tilespmem:$0x6F0];
	v59, _, _ =	vpop (xrf1)  }
0xd3: {  	v44 =	vmul.f32 v44, v44;
	v45 =	vmax.f32 v49, v59  }
0xd4: {  	v46 =	vsub.f32 v56, v57;
	v60, _, _ =	vpop (xrf1);
	(xrf1) =	vsort.ascd.msk.f32 $0xffff, v45, v45  }
0xd5: {  	v51, _, _ =	vpop (xrf1);
	(xrf1) =	vsort.dscd.msk.f32 $0xffff, v44, v44  }
0xd6: {  	v48 =	vsub.f32 v58, v50;
	v45 =	vmul.f32 v46, v46;
	v49 =	vmax.f32 v60, v51;
	v62, _, _ =	vpop (xrf1)  }
0xd7: {  	v47 =	vsub.f32 v61, v52;
	(xrf1) =	vsort.ascd.msk.f32 $0xffff, v49, v49;
	v63, _, _ =	vpop (xrf1)  }
0xd8: {  	v46 =	vmul.f32 v48, v48;
	(xrf1) =	vsort.dscd.msk.f32 $0xffff, v45, v45;
	v49 =	vmax.f32 v62, v63;
	v0, _, _ =	vpop (xrf1)  }
0xd9: {  	(xrf1) =	vsort.ascd.msk.f32 $0xffff, v49, v49;
	v1, _, _ =	vpop (xrf1)  }
0xda: {  	v47 =	vmul.f32 v47, v47;
	(xrf1) =	vsort.dscd.msk.f32 $0xffff, v46, v46;
	v48 =	vmax.f32 v0, v1  }
0xdb: {  	(xrf1) =	vsort.ascd.msk.f32 $0xffff, v48, v48  }
0xdc: {  	v3 =	vld [tilespmem:$0x700];
	(xrf1) =	vsort.dscd.msk.f32 $0xffff, v47, v47  }
0xdd: {  	v2 =	vld [tilespmem:$0x300]  }
0xde: {  	v4 =	vld [tilespmem:$0x310]  }
0xdf: {  	v5 =	vld [tilespmem:$0x710]  }
0xe0: {  	v56 =	vld [tilespmem:$0x730]  }
0xe1: {  	v6 =	vld [tilespmem:$0x320]  }
0xe2: {  	v54 =	vld [tilespmem:$0x720];
	v48 =	vsub.f32 v2, v3;
	v53, _, _ =	vpop (xrf1)  }
0xe3: {  	v60 =	vld [tilespmem:$0x330];
	v7, _, _ =	vpop (xrf1)  }
0xe4: {  	v48 =	vmul.f32 v48, v48;
	v49 =	vmax.f32 v53, v7  }
0xe5: {  	v50 =	vsub.f32 v4, v5;
	v8, _, _ =	vpop (xrf1);
	(xrf1) =	vsort.ascd.msk.f32 $0xffff, v49, v49  }
0xe6: {  	v55, _, _ =	vpop (xrf1);
	(xrf1) =	vsort.dscd.msk.f32 $0xffff, v48, v48  }
0xe7: {  	v52 =	vsub.f32 v6, v54;
	v49 =	vmul.f32 v50, v50;
	v53 =	vmax.f32 v8, v55;
	v61, _, _ =	vpop (xrf1)  }
0xe8: {  	v51 =	vsub.f32 v60, v56;
	(xrf1) =	vsort.ascd.msk.f32 $0xffff, v53, v53;
	v62, _, _ =	vpop (xrf1)  }
0xe9: {  	v50 =	vmul.f32 v52, v52;
	(xrf1) =	vsort.dscd.msk.f32 $0xffff, v49, v49;
	v53 =	vmax.f32 v61, v62;
	v63, _, _ =	vpop (xrf1)  }
0xea: {  	(xrf1) =	vsort.ascd.msk.f32 $0xffff, v53, v53;
	v0, _, _ =	vpop (xrf1)  }
0xeb: {  	v51 =	vmul.f32 v51, v51;
	(xrf1) =	vsort.dscd.msk.f32 $0xffff, v50, v50;
	v52 =	vmax.f32 v63, v0  }
0xec: {  	(xrf1) =	vsort.ascd.msk.f32 $0xffff, v52, v52  }
0xed: {  	v1 =	vld [tilespmem:$0x340];
	(xrf1) =	vsort.dscd.msk.f32 $0xffff, v51, v51  }
0xee: {  	v2 =	vld [tilespmem:$0x740]  }
0xef: {  	v4 =	vld [tilespmem:$0x750]  }
0xf0: {  	v5 =	vld [tilespmem:$0x360]  }
0xf1: {  	v3 =	vld [tilespmem:$0x350]  }
0xf2: {  	v58 =	vld [tilespmem:$0x760]  }
0xf3: {  	v60 =	vld [tilespmem:$0x770];
	v52 =	vsub.f32 v1, v2;
	v57, _, _ =	vpop (xrf1)  }
0xf4: {  	v8 =	vld [tilespmem:$0x370];
	v6, _, _ =	vpop (xrf1)  }
0xf5: {  	v52 =	vmul.f32 v52, v52;
	v53 =	vmax.f32 v57, v6  }
0xf6: {  	v54 =	vsub.f32 v3, v4;
	v7, _, _ =	vpop (xrf1);
	(xrf1) =	vsort.ascd.msk.f32 $0xffff, v53, v53  }
0xf7: {  	v59, _, _ =	vpop (xrf1);
	(xrf1) =	vsort.dscd.msk.f32 $0xffff, v52, v52  }
0xf8: {  	v56 =	vsub.f32 v5, v58;
	v53 =	vmul.f32 v54, v54;
	v57 =	vmax.f32 v7, v59;
	v63, _, _ =	vpop (xrf1)  }
0xf9: {  	v55 =	vsub.f32 v8, v60;
	(xrf1) =	vsort.ascd.msk.f32 $0xffff, v57, v57;
	v0, _, _ =	vpop (xrf1)  }
0xfa: {  	v54 =	vmul.f32 v56, v56;
	(xrf1) =	vsort.dscd.msk.f32 $0xffff, v53, v53;
	v57 =	vmax.f32 v63, v0;
	v1, _, _ =	vpop (xrf1)  }
0xfb: {  	(xrf1) =	vsort.ascd.msk.f32 $0xffff, v57, v57;
	v2, _, _ =	vpop (xrf1)  }
0xfc: {  	v55 =	vmul.f32 v55, v55;
	(xrf1) =	vsort.dscd.msk.f32 $0xffff, v54, v54;
	v56 =	vmax.f32 v1, v2  }
0xfd: {  	(xrf1) =	vsort.ascd.msk.f32 $0xffff, v56, v56  }
0xfe: {  	v3 =	vld [tilespmem:$0x380];
	(xrf1) =	vsort.dscd.msk.f32 $0xffff, v55, v55  }
0xff: {  	v4 =	vld [tilespmem:$0x780]  }
0x100: {  	v5 =	vld [tilespmem:$0x390]  }
0x101: {  	v62 =	vld [tilespmem:$0x7A0]  }
0x102: {  	v6 =	vld [tilespmem:$0x790]  }
0x103: {  	v7 =	vld [tilespmem:$0x3A0]  }
0x104: {  	v56 =	vsub.f32 v3, v4;
	v61, _, _ =	vpop (xrf1)  }
0x105: {  	v0 =	vld [tilespmem:$0x3B0];
	v63, _, _ =	vpop (xrf1)  }
0x106: {  	v3 =	vld [tilespmem:$0x7B0];
	v56 =	vmul.f32 v56, v56;
	v61 =	vmax.f32 v61, v63  }
0x107: {  	v58 =	vsub.f32 v5, v6;
	v8, _, _ =	vpop (xrf1);
	(xrf1) =	vsort.ascd.msk.f32 $0xffff, v61, v61  }
0x108: {  	v5 =	vsub.f32 v7, v62;
	v2, _, _ =	vpop (xrf1);
	(xrf1) =	vsort.dscd.msk.f32 $0xffff, v56, v56  }
0x109: {  	v57 =	vmul.f32 v58, v58;
	v59 =	vmax.f32 v8, v2;
	v4, _, _ =	vpop (xrf1)  }
0x10a: {  	v58 =	vmul.f32 v5, v5;
	v6, _, _ =	vpop (xrf1);
	(xrf1) =	vsort.ascd.msk.f32 $0xffff, v59, v59  }
0x10b: {  	v0 =	vsub.f32 v0, v3;
	v7 =	vmax.f32 v4, v6;
	(xrf1) =	vsort.dscd.msk.f32 $0xffff, v57, v57;
	v8, _, _ =	vpop (xrf1)  }
0x10c: {  	(xrf1) =	vsort.ascd.msk.f32 $0xffff, v7, v7;
	v4, _, _ =	vpop (xrf1)  }
0x10d: {  	v7 =	vmul.f32 v0, v0;
	(xrf1) =	vsort.dscd.msk.f32 $0xffff, v58, v58;
	v59 =	vmax.f32 v8, v4  }
0x10e: {  	(xrf1) =	vsort.ascd.msk.f32 $0xffff, v59, v59  }
0x10f: {  	v62 =	vld [tilespmem:$0x7D0];
	(xrf1) =	vsort.dscd.msk.f32 $0xffff, v7, v7  }
0x110: {  	v5 =	vld [tilespmem:$0x3C0]  }
0x111: {  	v61 =	vld [tilespmem:$0x3D0]  }
0x112: {  	v6 =	vld [tilespmem:$0x7C0];
	_ =	sdelay $0x2  }
0x113: {  	v1, _, _ =	vpop (xrf1)  }
0x114: {  	v63 =	vld [tilespmem:$0x3E0];
	v8, _, _ =	vpop (xrf1)  }
0x115: {  	v2 =	vld [tilespmem:$0x7E0];
	v59 =	vsub.f32 v5, v6;
	v1 =	vmax.f32 v1, v8;
	v8 =	vsub.f32 v61, v62  }
0x116: {  	v6, _, _ =	vpop (xrf1)  }
0x117: {  	v59 =	vmul.f32 v59, v59;
	v5, _, _ =	vpop (xrf1)  }
0x118: {  	v3 =	vld [tilespmem:$0x7F0];
	(xrf1) =	vsort.ascd.msk.f32 $0xffff, v1, v1;
	v0 =	vmax.f32 v6, v5;
	v6, _, _ =	vpop (xrf1)  }
0x119: {  	v4 =	vld [tilespmem:$0x3F0];
	(xrf1) =	vsort.dscd.msk.f32 $0xffff, v59, v59;
	v60 =	vmul.f32 v8, v8;
	v8, _, _ =	vpop (xrf1)  }
0x11a: {  	v2 =	vsub.f32 v63, v2;
	(xrf1) =	vsort.ascd.msk.f32 $0xffff, v0, v0;
	v63, _, _ =	vpop (xrf1)  }
0x11b: {  	(xrf1) =	vsort.dscd.msk.f32 $0xffff, v60, v60;
	v1 =	vmax.f32 v6, v8;
	v8 =	vld [tilespmem:$0x1FF70];
	v5, _, _ =	vpop (xrf1)  }
0x11c: {  	v6 =	vmul.f32 v2, v2;
	(xrf1) =	vsort.ascd.msk.f32 $0xffff, v1, v1;
	v1 =	vmax.f32 v63, v5;
	v63 =	vld [tilespmem:$0x1FF80];
	_ =	sdelay $0x1  }
0x11d: {  	v62 =	vsub.f32 v4, v3;
	(xrf1) =	vsort.dscd.msk.f32 $0xffff, v6, v6;
	_ =	sdelay $0x1  }
0x11e: {  	v0 =	vld [tilespmem:$0x1FF90];
	v5 =	vmul.f32 v62, v62  }
0x11f: {  	(xrf1) =	vsort.ascd.msk.f32 $0xffff, v1, v1;
	v63 =	vadd.f32 v63, v8;
	v8 =	vld [tilespmem:$0x1FFA0]  }
0x120: {  	(xrf1) =	vsort.dscd.msk.f32 $0xffff, v5, v5;
	_ =	sdelay $0x3  }
0x121: {  	v2 =	vadd.f32 v8, v0;
	v0 =	vld [tilespmem:$0x1FFB0]  }
0x122: {  	v1, _, _ =	vpop (xrf1);
	v8 =	vld [tilespmem:$0x1FFC0]  }
0x123: {  	v3, _, _ =	vpop (xrf1)  }
0x124: {  	v4, _, _ =	vpop (xrf1)  }
0x125: {  	v61, _, _ =	vpop (xrf1)  }
0x126: {  	v4 =	vmax.f32 v4, v61;
	v61 =	vld [tilespmem:$0x1FFD0];
	v62, _, _ =	vpop (xrf1)  }
0x127: {  	v1 =	vmax.f32 v1, v3;
	v3, _, _ =	vpop (xrf1);
	v0 =	vadd.f32 v8, v0;
	v8 =	vld [tilespmem:$0x1FFE0]  }
0x128: {  	v3 =	vmax.f32 v62, v3;
	v62 =	vld [tilespmem:$0x1FFF0];
	_ =	sdelay $0x1  }
0x129: {  	(xrf1) =	vsort.ascd.msk.f32 $0xffff, v1, v1;
	v1, _, _ =	vpop (xrf1)  }
0x12a: {  	v2 =	vadd.f32 v9, v2;
	(xrf1) =	vsort.dscd.msk.f32 $0xffff, v4, v4;
	v4, _, _ =	vpop (xrf1)  }
0x12b: {  	(xrf1) =	vsort.ascd.msk.f32 $0xffff, v3, v3;
	v1 =	vmax.f32 v1, v4;
	v61 =	vadd.f32 v8, v61  }
0x12c: {  	v0 =	vadd.f32 v10, v0;
	(xrf1) =	vsort.dscd.msk.f32 $0xffff, v1, v1;
	v8 =	vadd.f32 v62, v63  }
0x12d: {  	v2 =	vadd.f32 v13, v2;
	v11 =	vadd.f32 v11, v61  }
0x12e: {  	v0 =	vadd.f32 v14, v0;
	v12 =	vadd.f32 v12, v8  }
0x12f: {  	v2 =	vadd.f32 v17, v2;
	v1 =	vadd.f32 v15, v11  }
0x130: {  	v0 =	vadd.f32 v18, v0;
	v3 =	vadd.f32 v16, v12  }
0x131: {  	v2 =	vadd.f32 v21, v2;
	v1 =	vadd.f32 v19, v1  }
0x132: {  	v0 =	vadd.f32 v22, v0;
	v3 =	vadd.f32 v20, v3  }
0x133: {  	v2 =	vadd.f32 v25, v2;
	v1 =	vadd.f32 v23, v1  }
0x134: {  	v0 =	vadd.f32 v26, v0;
	v3 =	vadd.f32 v24, v3  }
0x135: {  	v2 =	vadd.f32 v29, v2;
	v1 =	vadd.f32 v27, v1  }
0x136: {  	v0 =	vadd.f32 v30, v0;
	v3 =	vadd.f32 v28, v3  }
0x137: {  	v2 =	vadd.f32 v33, v2;
	v30, _, _ =	vpop (xrf1);
	v1 =	vadd.f32 v31, v1  }
0x138: {  	v0 =	vadd.f32 v34, v0;
	v3 =	vadd.f32 v32, v3;
	v32, _, _ =	vpop (xrf1)  }
0x139: {  	v2 =	vadd.f32 v37, v2;
	v61, _, _ =	vpop (xrf1);
	v1 =	vadd.f32 v35, v1  }
0x13a: {  	v0 =	vadd.f32 v38, v0;
	v4 =	vmax.f32 v30, v32;
	v3 =	vadd.f32 v36, v3;
	v62, _, _ =	vpop (xrf1)  }
0x13b: {  	(xrf1) =	vsort.ascd.msk.f32 $0xffff, v4, v4;
	v8 =	vmax.f32 v61, v62;
	v1 =	vadd.f32 v39, v1  }
0x13c: {  	v2 =	vadd.f32 v41, v2;
	v0 =	vadd.f32 v42, v0;
	(xrf1) =	vsort.dscd.msk.f32 $0xffff, v8, v8  }
0x13d: {  	v3 =	vadd.f32 v40, v3;
	v1 =	vadd.f32 v43, v1  }
0x13e: {  	v2 =	vadd.f32 v45, v2;
	v0 =	vadd.f32 v46, v0  }
0x13f: {  	v3 =	vadd.f32 v44, v3;
	v1 =	vadd.f32 v47, v1  }
0x140: {  	v2 =	vadd.f32 v49, v2;
	v0 =	vadd.f32 v50, v0  }
0x141: {  	v3 =	vadd.f32 v48, v3;
	v1 =	vadd.f32 v51, v1  }
0x142: {  	v2 =	vadd.f32 v53, v2;
	v0 =	vadd.f32 v54, v0  }
0x143: {  	v3 =	vadd.f32 v52, v3;
	v1 =	vadd.f32 v55, v1  }
0x144: {  	v2 =	vadd.f32 v57, v2;
	v0 =	vadd.f32 v58, v0  }
0x145: {  	v3 =	vadd.f32 v56, v3;
	v1 =	vadd.f32 v7, v1  }
0x146: {  	v2 =	vadd.f32 v60, v2;
	v0 =	vadd.f32 v6, v0  }
0x147: {  	v3 =	vadd.f32 v59, v3;
	v1 =	vadd.f32 v5, v1;
	_ =	sdelay $0x1  }
0x148: {  	v4, _, _ =	vpop (xrf1);
	v2 =	vadd.f32 v2, v3;
	v0 =	vadd.f32 v1, v0  }
0x149: {  	v63, _, _ =	vpop (xrf1)  }
0x14a: {  	v1 =	vmax.f32 v4, v63;
	v0 =	vadd.f32 v0, v2  }
0x14b: {  	s5 =	sshrl.u32 s5, $0x2;
	[tilespmem:$0x800] =	vst v1  }
0x14c: {  	s31 =	simm.s32 $0x800;
	s5 =	sadd.s32 s5, s3;
	[tilespmem:$0x810] =	vst v0  }
0x14d: {  	[spmem:s5] =	stream.linear.scatter [tilespmem:s31], [sflag:$0x3], $0x20, $0x38;
	[tilespmem:$0xB20] =	vst v63  }
0x14e: {  	s5 =	simm.s32 $0x3  }
0x14f: {  	_ =	swait.ge [sflag:s5], $0x20  }
0x150: {  	[sflag:s5] =	ssyncset.done $0x0  }
0x151: {  	[sflag:s5] =	ssyncadd.s32 $0xFFFFFFE0  }
0x152: {  	p0 =	sne.s32 s4, $0x0;
	[bflag:$0x0] =	sbarrier.arrive $0xFFFF  }
0x153: {  	_ =	sfence.sel @p0 $0x180000  }
0x154: {  	[bflag:$0x0] =	sbarrier.arrive @p0 $0xFFFF  }
0x155: {  	_ =	strace @p0 $0x90000047  }
0x156: {  	[bflag:$0x2] =	sbarrier.arrive @p0 $0xFFFF  }
0x157: {  	_ =	shalt @p0  }
.LBB2_1:
0x158: {  	s4 =	simm.s32 $0x8A0  }
0x159: {  	[tilespmem:s4], [sflag:$0x3] =	stream.linear.gather [spmem:s3], $0x200, $0x38;
	[tilespmem:$0xB20] =	vst v63  }
0x15a: {  	_ =	swait.ge [sflag:s5], $0x200  }
0x15b: {  	[sflag:s5] =	ssyncset.done $0x0  }
0x15c: {  	[sflag:s5] =	ssyncadd.s32 $0xFFFFFE00  }
0x15d: {  	v0 =	vld [tilespmem:$0x8A0]  }
0x15e: {  	v1 =	vld [tilespmem:$0x8C0]  }
0x15f: {  	v2 =	vld [tilespmem:$0x8E0]  }
0x160: {  	v3 =	vld [tilespmem:$0x900]  }
0x161: {  	v4 =	vld [tilespmem:$0x920]  }
0x162: {  	v5 =	vld [tilespmem:$0x940];
	(xrf1) =	vsort.ascd.msk.f32 $0xffff, v0, v0  }
0x163: {  	v58 =	vld [tilespmem:$0x960];
	(xrf1) =	vsort.dscd.msk.f32 $0xffff, v1, v1  }
0x164: {  	v59 =	vld [tilespmem:$0x980];
	(xrf1) =	vsort.ascd.msk.f32 $0xffff, v2, v2  }
0x165: {  	v60 =	vld [tilespmem:$0x9A0];
	(xrf1) =	vsort.dscd.msk.f32 $0xffff, v3, v3  }
0x166: {  	v61 =	vld [tilespmem:$0x9C0];
	(xrf1) =	vsort.ascd.msk.f32 $0xffff, v4, v4  }
0x167: {  	v62 =	vld [tilespmem:$0x9E0];
	(xrf1) =	vsort.dscd.msk.f32 $0xffff, v5, v5  }
0x168: {  	v63 =	vld [tilespmem:$0xA00];
	(xrf1) =	vsort.ascd.msk.f32 $0xffff, v58, v58  }
0x169: {  	v8 =	vld [tilespmem:$0xA20];
	(xrf1) =	vsort.dscd.msk.f32 $0xffff, v59, v59  }
0x16a: {  	v9 =	vld [tilespmem:$0xA40];
	(xrf1) =	vsort.ascd.msk.f32 $0xffff, v60, v60  }
0x16b: {  	v10 =	vld [tilespmem:$0xA60];
	(xrf1) =	vsort.dscd.msk.f32 $0xffff, v61, v61  }
0x16c: {  	v11 =	vld [tilespmem:$0xA80];
	(xrf1) =	vsort.ascd.msk.f32 $0xffff, v62, v62  }
0x16d: {  	(xrf1) =	vsort.dscd.msk.f32 $0xffff, v63, v63  }
0x16e: {  	(xrf1) =	vsort.ascd.msk.f32 $0xffff, v8, v8  }
0x16f: {  	(xrf1) =	vsort.dscd.msk.f32 $0xffff, v9, v9  }
0x170: {  	v12, _, _ =	vpop (xrf1);
	(xrf1) =	vsort.ascd.msk.f32 $0xffff, v10, v10  }
0x171: {  	v13, _, _ =	vpop (xrf1);
	(xrf1) =	vsort.dscd.msk.f32 $0xffff, v11, v11  }
0x172: {  	v14, _, _ =	vpop (xrf1)  }
0x173: {  	v15, _, _ =	vpop (xrf1)  }
0x174: {  	v16, _, _ =	vpop (xrf1)  }
0x175: {  	v17, _, _ =	vpop (xrf1)  }
0x176: {  	v6, _, _ =	vpop (xrf1)  }
0x177: {  	v7, _, _ =	vpop (xrf1)  }
0x178: {  	v8, _, _ =	vpop (xrf1)  }
0x179: {  	v0 =	vmax.f32 v12, v13;
	v18, _, _ =	vpop (xrf1)  }
0x17a: {  	(xrf1) =	vsort.ascd.msk.f32 $0xffff, v0, v0;
	v2 =	vmax.f32 v14, v15;
	v19, _, _ =	vpop (xrf1)  }
0x17b: {  	(xrf1) =	vsort.dscd.msk.f32 $0xffff, v2, v2;
	v20 =	vmax.f32 v16, v17;
	v21, _, _ =	vpop (xrf1)  }
0x17c: {  	(xrf1) =	vsort.ascd.msk.f32 $0xffff, v20, v20;
	v22 =	vmax.f32 v6, v7;
	v23, _, _ =	vpop (xrf1)  }
0x17d: {  	(xrf1) =	vsort.dscd.msk.f32 $0xffff, v22, v22;
	v24 =	vmax.f32 v8, v18;
	v25, _, _ =	vpop (xrf1)  }
0x17e: {  	v26 =	vmax.f32 v19, v21;
	v27, _, _ =	vpop (xrf1);
	(xrf1) =	vsort.ascd.msk.f32 $0xffff, v24, v24  }
0x17f: {  	v28 =	vmax.f32 v23, v25;
	v29, _, _ =	vpop (xrf1);
	(xrf1) =	vsort.dscd.msk.f32 $0xffff, v26, v26  }
0x180: {  	v1 =	vmax.f32 v27, v29;
	(xrf1) =	vsort.ascd.msk.f32 $0xffff, v28, v28  }
0x181: {  	(xrf1) =	vsort.dscd.msk.f32 $0xffff, v1, v1;
	_ =	sdelay $0x6  }
0x182: {  	v30, _, _ =	vpop (xrf1)  }
0x183: {  	v31, _, _ =	vpop (xrf1)  }
0x184: {  	v32, _, _ =	vpop (xrf1)  }
0x185: {  	v33, _, _ =	vpop (xrf1)  }
0x186: {  	v35 =	vld [tilespmem:$0x8B0];
	v34, _, _ =	vpop (xrf1)  }
0x187: {  	v37 =	vld [tilespmem:$0x8D0];
	v0 =	vmax.f32 v30, v31;
	v36, _, _ =	vpop (xrf1)  }
0x188: {  	v2 =	vmax.f32 v32, v33;
	(xrf1) =	vsort.ascd.msk.f32 $0xffff, v0, v0;
	v38, _, _ =	vpop (xrf1)  }
0x189: {  	v41 =	vld [tilespmem:$0x8F0];
	(xrf1) =	vsort.dscd.msk.f32 $0xffff, v2, v2;
	v39 =	vmax.f32 v34, v36;
	v40, _, _ =	vpop (xrf1)  }
0x18a: {  	(xrf1) =	vsort.ascd.msk.f32 $0xffff, v39, v39;
	v1 =	vmax.f32 v38, v40  }
0x18b: {  	v42 =	vld [tilespmem:$0x910];
	(xrf1) =	vsort.dscd.msk.f32 $0xffff, v1, v1  }
0x18c: {  	v43 =	vadd.f32 v37, v35  }
0x18d: {  	v44 =	vld [tilespmem:$0x930]  }
0x18e: {  	v1 =	vadd.f32 v41, v43  }
0x18f: {  	v45 =	vld [tilespmem:$0x950]  }
0x190: {  	v0 =	vadd.f32 v42, v1  }
0x191: {  	v46 =	vld [tilespmem:$0x970]  }
0x192: {  	v0 =	vadd.f32 v44, v0  }
0x193: {  	v47 =	vld [tilespmem:$0x990]  }
0x194: {  	v0 =	vadd.f32 v45, v0  }
0x195: {  	v48 =	vld [tilespmem:$0x9B0]  }
0x196: {  	v0 =	vadd.f32 v46, v0;
	v49, _, _ =	vpop (xrf1)  }
0x197: {  	v51 =	vld [tilespmem:$0x9D0];
	v50, _, _ =	vpop (xrf1)  }
0x198: {  	v0 =	vadd.f32 v47, v0;
	v52, _, _ =	vpop (xrf1)  }
0x199: {  	v54 =	vld [tilespmem:$0x9F0];
	v1 =	vmax.f32 v49, v50;
	v53, _, _ =	vpop (xrf1)  }
0x19a: {  	(xrf1) =	vsort.ascd.msk.f32 $0xffff, v1, v1;
	v0 =	vadd.f32 v48, v0;
	v3 =	vmax.f32 v52, v53  }
0x19b: {  	v55 =	vld [tilespmem:$0xA10];
	(xrf1) =	vsort.dscd.msk.f32 $0xffff, v3, v3  }
0x19c: {  	v0 =	vadd.f32 v51, v0  }
0x19d: {  	v56 =	vld [tilespmem:$0xA30]  }
0x19e: {  	v0 =	vadd.f32 v54, v0  }
0x19f: {  	v57 =	vld [tilespmem:$0xA50]  }
0x1a0: {  	v0 =	vadd.f32 v55, v0  }
0x1a1: {  	v58 =	vld [tilespmem:$0xA70]  }
0x1a2: {  	v0 =	vadd.f32 v56, v0  }
0x1a3: {  	v59 =	vld [tilespmem:$0xA90]  }
0x1a4: {  	v0 =	vadd.f32 v57, v0;
	_ =	sdelay $0x1  }
0x1a5: {  	v0 =	vadd.f32 v58, v0;
	_ =	sdelay $0x1  }
0x1a6: {  	v60, _, _ =	vpop (xrf1);
	v0 =	vadd.f32 v59, v0  }
0x1a7: {  	v61, _, _ =	vpop (xrf1)  }
0x1a8: {  	(xrf2) =	vadd.scan.msk.f32 $0xffff, v0;
	v1 =	vmax.f32 v60, v61  }
0x1a9: {  	(xrf2) =	vadd.scan.msk.f32 $0xffff, v1;
	_ =	sdelay $0x8  }
0x1aa: {  	v0, _, _ =	vpop (xrf2)  }
0x1ab: {  	(v2sf) =	vpush v0, $0xF;
	v62, _, _ =	vpop (xrf2)  }
0x1ac: {  	(v2sf) =	vpush v62, $0xF;
	_ =	sdelay $0xd  }
0x1ad: {  	s29 =	spop (v2sf)  }
0x1ae: {  	s30 =	spop (v2sf)  }
0x1af: {  	s3 =	ssub.f32 s29, s30;
	_ =	sdelay $0x1  }
0x1b0: {  	s3 =	smul.f32 $6.109481910e-05, s3;
	_ =	sdelay $0x1  }
0x1b1: {  	v63 =	vmov s3  }
0x1b2: {  	s31 =	simm.s32 $0xAA0;
	[tilespmem:$0xAA0] =	vst v63  }
0x1b3: {  	[hbm4b:s1+s2] =	stream.linear.scatter [tilespmem:s31], [sflag:$0x3], $0x80, $0x38;
	[tilespmem:$0xB20] =	vst v63  }
0x1b4: {  	_ =	swait.ge [sflag:s5], $0x80  }
0x1b5: {  	[sflag:s5] =	ssyncset.done $0x0  }
0x1b6: {  	[sflag:s5] =	ssyncadd.s32 $0xFFFFFF80  }
0x1b7: {  	_ =	sfence.sel $0x180000  }
0x1b8: {  	[bflag:$0x0] =	sbarrier.arrive $0xFFFF  }
0x1b9: {  	_ =	strace $0x90000047  }
0x1ba: {  	s0 =	sadd.s32 $0x100000, s0;
	[bflag:$0x2] =	sbarrier.arrive $0xFFFF  }
0x1bb: {  	[sflag:s0] =	ssyncadd.tile.s32 $0x1;
	_ =	shalt  }
.Lfunc_end2:
_tile_overlayer_lowered:
.L_overlay_start_2:
0x1bc: {  	(tag) =	ssettag $0x2  }
0x1bd: {  	s0 =	rddreg [dreg:$0x0];
	s2 =	stileid.u32  }
0x1be: {  	s1 =	rddreg [dreg:$0x1];
	p0 =	sne.s32 s2, $0x0  }
0x1bf: {  	s3 =	rddreg [dreg:$0x2];
	[bflag:$0x3] =	sbarrier.arrive $0xFFFF;
	s2 =	simm.s32 @!p0 $0x1C03  }
0x1c0: {  	[timem:s3], [sflag:s2] =	dma.local @!p0 [hbm:s0], s1  }
0x1c1: {  	s0 =	simm.s32 @!p0 $0x3  }
0x1c2: {  	_ =	swait.ge @!p0 [sflag:s0], s1  }
0x1c3: {  	s1 =	ssub.s32 @!p0 $0x0, s1;
	[sflag:s0] =	ssyncset.done @!p0 $0x0  }
0x1c4: {  	[sflag:s0] =	ssyncadd.s32 @!p0 s1  }
0x1c5: {  	[bflag:$0x3] =	sbarrier.arrive $0xFFFF  }
0x1c6: {  	_ =	shalt  }

</sc_bundles>
